<compile_context>
chip_gen: v7x
topology: tpu7x:2x2x1
jax: 0.10.2.dev20260603
libtpu: 0.0.44.dev20260713+nightly
codegen_flags: <defaults>
</compile_context>

<pallas_src>
import functools

import numpy as np

import jax
import jax.numpy as jnp
from jax import lax
from jax.experimental import pallas as pl
from jax.experimental.pallas import tpu as pltpu
from jax.experimental.pallas import tpu_sc as plsc

B = 16384
Q = 128
L = 16
NC = 2
NS = 16
NW = NC * NS
RPW = B // NW
GPW = RPW // L
CH = 128
NCH = RPW // CH

_mesh = plsc.VectorSubcoreMesh(core_axis_name="c", subcore_axis_name="s")


@functools.partial(
    pl.kernel,
    mesh=_mesh,
    out_type=jax.ShapeDtypeStruct((B, Q), jnp.float32),
    scratch_types=[
        pltpu.VMEM((RPW,), jnp.int32),
        pltpu.VMEM((NCH, CH), jnp.int32),
        pltpu.VMEM((2, CH, Q), jnp.float32),
        pltpu.SemaphoreType.DMA,
        pltpu.SemaphoreType.DMA,
        pltpu.SemaphoreType.DMA,
        pltpu.SemaphoreType.DMA,
    ],
)
def _encode(x_hbm, tab_hbm, out_hbm, idx_v, rows_v, chunks, sem_i,
            sem_g0, sem_g1, sem_w):
    wid = lax.axis_index("s") * NC + lax.axis_index("c")
    base = wid * RPW

    in_cp = pltpu.async_copy(x_hbm.at[pl.ds(base, RPW)], idx_v, sem_i)

    in_cp.wait()
    for g in range(GPW):
        xv = idx_v[pl.ds(g * L, L)]
        col = lax.bitwise_and(xv, Q - 1)
        rows_v[g // (CH // L), pl.ds((g % (CH // L)) * L, L)] = wid * Q + col

    gsems = [sem_g0, sem_g1]
    gcps = [None, None]
    wcps = [None, None]
    gcps[0] = pltpu.async_copy(
        tab_hbm.at[rows_v.at[0]], chunks.at[0], gsems[0]
    )
    for j in range(NCH):
        b = j % 2
        nb = (j + 1) % 2
        if j + 1 < NCH:
            if wcps[nb] is not None:
                wcps[nb].wait()
            gcps[nb] = pltpu.async_copy(
                tab_hbm.at[rows_v.at[j + 1]], chunks.at[nb], gsems[nb]
            )
        gcps[b].wait()
        wcps[b] = pltpu.async_copy(
            chunks.at[b],
            out_hbm.at[pl.ds(base + j * CH, CH)],
            sem_w,
        )
    for cp in wcps:
        if cp is not None:
            cp.wait()


_TABLES = np.tile(np.eye(Q, dtype=np.float32), (NW, 1))


def kernel(x):
    return _encode(x, jnp.asarray(_TABLES))

# --- scband reference (transcript-rebuilt; emitter-appended) ---
"""Pipeline reference for scband-basis-encoder-25890062860681 (READ-ONLY COPY).

The authoritative reference and input builder live on the scoring server;
editing this copy changes nothing except your own understanding.
"""

import jax, jax.numpy as jnp
import numpy as np

N_QUBITS = 128
N_STATES = 1000000

def setup_inputs(seed: int = 0) -> dict:
    key = jax.random.key(seed)
    x = jax.random.randint(key, (16384,), 0, N_STATES, dtype=jnp.int64) if jax.config.jax_enable_x64 else jax.random.randint(key, (16384,), 0, N_STATES, dtype=jnp.int32)
    return {"x": x}

def reference(x) -> jnp.ndarray:
    # Faithful translation of BasisEncoder.forward:
    #   state = x[i] % n_states; basis[i, state % n_qubits] = 1.0
    batch_size = x.shape[0]
    state = jnp.mod(x, N_STATES)
    idx = jnp.mod(state, N_QUBITS).astype(jnp.int32)
    basis = jnp.zeros((batch_size, N_QUBITS), dtype=jnp.float32)
    basis = basis.at[jnp.arange(batch_size), idx].set(1.0)
    return basis

if __name__ == "__main__":
    import jax
    _d = setup_inputs()
    print(jax.jit(kernel)(*tuple(_d.values())))

</pallas_src>

<mosaic_0001>
#map = affine_map<(d0, d1) -> (0)>
#map1 = affine_map<(d0, d1) -> (0, 0)>
module attributes {stable_mosaic.version = 14 : i64} {
  func.func @_encode(%arg0: i32, %arg1: i32, %arg2: memref<16384xi32, #tpu.memory_space<hbm>>, %arg3: memref<4096x128xf32, #tpu.memory_space<hbm>>, %arg4: memref<16384x128xf32, #tpu.memory_space<hbm>>, %arg5: memref<512xi32, #tpu.memory_space<vmem>>, %arg6: memref<4x128xi32, #tpu.memory_space<vmem>>, %arg7: memref<2x128x128xf32, #tpu.memory_space<vmem>>, %arg8: memref<!tpu.dma_semaphore, #tpu.memory_space<semaphore_mem>>, %arg9: memref<!tpu.dma_semaphore, #tpu.memory_space<semaphore_mem>>, %arg10: memref<!tpu.dma_semaphore, #tpu.memory_space<semaphore_mem>>, %arg11: memref<!tpu.dma_semaphore, #tpu.memory_space<semaphore_mem>>) attributes {dimension_semantics = [#tpu.dimension_semantics<core_parallel>, #tpu.dimension_semantics<subcore_parallel>], iteration_bounds = array<i64: 2, 16>, scalar_prefetch = 0 : i64, scratch_operands = 7 : i64, tpu.core_type = #tpu.core_type<sc_vector_subcore>, window_params = [{transform_indices = #map}, {transform_indices = #map1}, {transform_indices = #map1}]} {
    %mul3A = arith.constant 2 : i32
    %mul3A_0 = arith.muli %arg1, %mul3A : i32
    %add3A = arith.addi %mul3A_0, %arg0 : i32
    %mul3A_1 = arith.constant 512 : i32
    %mul3A_2 = arith.muli %add3A, %mul3A_1 : i32
    %dma_start3A = tpu.memref_slice %arg2[%mul3A_2] : memref<16384xi32, #tpu.memory_space<hbm>> -> memref<512xi32, #tpu.memory_space<hbm>>
    %dma_start3A_3 = tpu.memref_slice %arg2[%mul3A_2] : memref<16384xi32, #tpu.memory_space<hbm>> -> memref<512xi32, #tpu.memory_space<hbm>>
    tpu.enqueue_dma source(%dma_start3A_3 : memref<512xi32, #tpu.memory_space<hbm>>) target(%arg5 : memref<512xi32, #tpu.memory_space<vmem>>) target_semaphore(%arg8 : memref<!tpu.dma_semaphore, #tpu.memory_space<semaphore_mem>>)
    %dma_wait3A = tpu.memref_slice %arg2[%mul3A_2] : memref<16384xi32, #tpu.memory_space<hbm>> -> memref<512xi32, #tpu.memory_space<hbm>>
    %dma_wait3A_4 = tpu.memref_slice %arg2[%mul3A_2] : memref<16384xi32, #tpu.memory_space<hbm>> -> memref<512xi32, #tpu.memory_space<hbm>>
    tpu.wait_dma2 semaphore(%arg8 : memref<!tpu.dma_semaphore, #tpu.memory_space<semaphore_mem>>) src(%dma_wait3A_4 : memref<512xi32, #tpu.memory_space<hbm>>) dst(%arg5 : memref<512xi32, #tpu.memory_space<vmem>>)
    %get3A = arith.constant 0 : index
    %get3A_5 = tpu.vector_load %arg5[%get3A] {strides = array<i32>} : memref<512xi32, #tpu.memory_space<vmem>>, vector<16xi32>,
    %get3A_6 = vector.shape_cast %get3A_5 : vector<16xi32> to vector<16xi32>
    %and3A = arith.constant 127 : i32
    %and3A_7 = vector.broadcast %and3A : i32 to vector<16xi32>
    %and3A_8 = arith.andi %get3A_6, %and3A_7 : vector<16xi32>
    %mul3A_9 = arith.constant 128 : i32
    %mul3A_10 = arith.muli %add3A, %mul3A_9 : i32
    %add3A_11 = vector.broadcast %mul3A_10 : i32 to vector<16xi32>
    %add3A_12 = arith.addi %add3A_11, %and3A_8 : vector<16xi32>
    %swap3A = arith.constant 0 : i32
    %swap3A_13 = arith.index_cast %swap3A : i32 to index
    %swap3A_14 = arith.constant 0 : index
    %swap3A_15 = tpu.vector_load %arg6[%swap3A_13, %swap3A_14] {strides = array<i32>} : memref<4x128xi32, #tpu.memory_space<vmem>>, vector<1x16xi32>,
    %swap3A_16 = vector.shape_cast %swap3A_15 : vector<1x16xi32> to vector<16xi32>
    %swap3A_17 = vector.shape_cast %add3A_12 : vector<16xi32> to vector<1x16xi32>
    tpu.vector_store %arg6[%swap3A_13, %swap3A_14], %swap3A_17 {strides = array<i32>} : memref<4x128xi32, #tpu.memory_space<vmem>>, vector<1x16xi32>,
    %get3A_18 = arith.constant 16 : index
    %get3A_19 = tpu.vector_load %arg5[%get3A_18] {strides = array<i32>} : memref<512xi32, #tpu.memory_space<vmem>>, vector<16xi32>,
    %get3A_20 = vector.shape_cast %get3A_19 : vector<16xi32> to vector<16xi32>
    %and3A_21 = arith.constant 127 : i32
    %and3A_22 = vector.broadcast %and3A_21 : i32 to vector<16xi32>
    %and3A_23 = arith.andi %get3A_20, %and3A_22 : vector<16xi32>
    %mul3A_24 = arith.constant 128 : i32
    %mul3A_25 = arith.muli %add3A, %mul3A_24 : i32
    %add3A_26 = vector.broadcast %mul3A_25 : i32 to vector<16xi32>
    %add3A_27 = arith.addi %add3A_26, %and3A_23 : vector<16xi32>
    %swap3A_28 = arith.constant 0 : i32
    %swap3A_29 = arith.index_cast %swap3A_28 : i32 to index
    %swap3A_30 = arith.constant 16 : index
    %swap3A_31 = tpu.vector_load %arg6[%swap3A_29, %swap3A_30] {strides = array<i32>} : memref<4x128xi32, #tpu.memory_space<vmem>>, vector<1x16xi32>,
    %swap3A_32 = vector.shape_cast %swap3A_31 : vector<1x16xi32> to vector<16xi32>
    %swap3A_33 = vector.shape_cast %add3A_27 : vector<16xi32> to vector<1x16xi32>
    tpu.vector_store %arg6[%swap3A_29, %swap3A_30], %swap3A_33 {strides = array<i32>} : memref<4x128xi32, #tpu.memory_space<vmem>>, vector<1x16xi32>,
    %get3A_34 = arith.constant 32 : index
    %get3A_35 = tpu.vector_load %arg5[%get3A_34] {strides = array<i32>} : memref<512xi32, #tpu.memory_space<vmem>>, vector<16xi32>,
    %get3A_36 = vector.shape_cast %get3A_35 : vector<16xi32> to vector<16xi32>
    %and3A_37 = arith.constant 127 : i32
    %and3A_38 = vector.broadcast %and3A_37 : i32 to vector<16xi32>
    %and3A_39 = arith.andi %get3A_36, %and3A_38 : vector<16xi32>
    %mul3A_40 = arith.constant 128 : i32
    %mul3A_41 = arith.muli %add3A, %mul3A_40 : i32
    %add3A_42 = vector.broadcast %mul3A_41 : i32 to vector<16xi32>
    %add3A_43 = arith.addi %add3A_42, %and3A_39 : vector<16xi32>
    %swap3A_44 = arith.constant 0 : i32
    %swap3A_45 = arith.index_cast %swap3A_44 : i32 to index
    %swap3A_46 = arith.constant 32 : index
    %swap3A_47 = tpu.vector_load %arg6[%swap3A_45, %swap3A_46] {strides = array<i32>} : memref<4x128xi32, #tpu.memory_space<vmem>>, vector<1x16xi32>,
    %swap3A_48 = vector.shape_cast %swap3A_47 : vector<1x16xi32> to vector<16xi32>
    %swap3A_49 = vector.shape_cast %add3A_43 : vector<16xi32> to vector<1x16xi32>
    tpu.vector_store %arg6[%swap3A_45, %swap3A_46], %swap3A_49 {strides = array<i32>} : memref<4x128xi32, #tpu.memory_space<vmem>>, vector<1x16xi32>,
    %get3A_50 = arith.constant 48 : index
    %get3A_51 = tpu.vector_load %arg5[%get3A_50] {strides = array<i32>} : memref<512xi32, #tpu.memory_space<vmem>>, vector<16xi32>,
    %get3A_52 = vector.shape_cast %get3A_51 : vector<16xi32> to vector<16xi32>
    %and3A_53 = arith.constant 127 : i32
    %and3A_54 = vector.broadcast %and3A_53 : i32 to vector<16xi32>
    %and3A_55 = arith.andi %get3A_52, %and3A_54 : vector<16xi32>
    %mul3A_56 = arith.constant 128 : i32
    %mul3A_57 = arith.muli %add3A, %mul3A_56 : i32
    %add3A_58 = vector.broadcast %mul3A_57 : i32 to vector<16xi32>
    %add3A_59 = arith.addi %add3A_58, %and3A_55 : vector<16xi32>
    %swap3A_60 = arith.constant 0 : i32
    %swap3A_61 = arith.index_cast %swap3A_60 : i32 to index
    %swap3A_62 = arith.constant 48 : index
    %swap3A_63 = tpu.vector_load %arg6[%swap3A_61, %swap3A_62] {strides = array<i32>} : memref<4x128xi32, #tpu.memory_space<vmem>>, vector<1x16xi32>,
    %swap3A_64 = vector.shape_cast %swap3A_63 : vector<1x16xi32> to vector<16xi32>
    %swap3A_65 = vector.shape_cast %add3A_59 : vector<16xi32> to vector<1x16xi32>
    tpu.vector_store %arg6[%swap3A_61, %swap3A_62], %swap3A_65 {strides = array<i32>} : memref<4x128xi32, #tpu.memory_space<vmem>>, vector<1x16xi32>,
    %get3A_66 = arith.constant 64 : index
    %get3A_67 = tpu.vector_load %arg5[%get3A_66] {strides = array<i32>} : memref<512xi32, #tpu.memory_space<vmem>>, vector<16xi32>,
    %get3A_68 = vector.shape_cast %get3A_67 : vector<16xi32> to vector<16xi32>
    %and3A_69 = arith.constant 127 : i32
    %and3A_70 = vector.broadcast %and3A_69 : i32 to vector<16xi32>
    %and3A_71 = arith.andi %get3A_68, %and3A_70 : vector<16xi32>
    %mul3A_72 = arith.constant 128 : i32
    %mul3A_73 = arith.muli %add3A, %mul3A_72 : i32
    %add3A_74 = vector.broadcast %mul3A_73 : i32 to vector<16xi32>
    %add3A_75 = arith.addi %add3A_74, %and3A_71 : vector<16xi32>
    %swap3A_76 = arith.constant 0 : i32
    %swap3A_77 = arith.index_cast %swap3A_76 : i32 to index
    %swap3A_78 = arith.constant 64 : index
    %swap3A_79 = tpu.vector_load %arg6[%swap3A_77, %swap3A_78] {strides = array<i32>} : memref<4x128xi32, #tpu.memory_space<vmem>>, vector<1x16xi32>,
    %swap3A_80 = vector.shape_cast %swap3A_79 : vector<1x16xi32> to vector<16xi32>
    %swap3A_81 = vector.shape_cast %add3A_75 : vector<16xi32> to vector<1x16xi32>
    tpu.vector_store %arg6[%swap3A_77, %swap3A_78], %swap3A_81 {strides = array<i32>} : memref<4x128xi32, #tpu.memory_space<vmem>>, vector<1x16xi32>,
    %get3A_82 = arith.constant 80 : index
    %get3A_83 = tpu.vector_load %arg5[%get3A_82] {strides = array<i32>} : memref<512xi32, #tpu.memory_space<vmem>>, vector<16xi32>,
    %get3A_84 = vector.shape_cast %get3A_83 : vector<16xi32> to vector<16xi32>
    %and3A_85 = arith.constant 127 : i32
    %and3A_86 = vector.broadcast %and3A_85 : i32 to vector<16xi32>
    %and3A_87 = arith.andi %get3A_84, %and3A_86 : vector<16xi32>
    %mul3A_88 = arith.constant 128 : i32
    %mul3A_89 = arith.muli %add3A, %mul3A_88 : i32
    %add3A_90 = vector.broadcast %mul3A_89 : i32 to vector<16xi32>
    %add3A_91 = arith.addi %add3A_90, %and3A_87 : vector<16xi32>
    %swap3A_92 = arith.constant 0 : i32
    %swap3A_93 = arith.index_cast %swap3A_92 : i32 to index
    %swap3A_94 = arith.constant 80 : index
    %swap3A_95 = tpu.vector_load %arg6[%swap3A_93, %swap3A_94] {strides = array<i32>} : memref<4x128xi32, #tpu.memory_space<vmem>>, vector<1x16xi32>,
    %swap3A_96 = vector.shape_cast %swap3A_95 : vector<1x16xi32> to vector<16xi32>
    %swap3A_97 = vector.shape_cast %add3A_91 : vector<16xi32> to vector<1x16xi32>
    tpu.vector_store %arg6[%swap3A_93, %swap3A_94], %swap3A_97 {strides = array<i32>} : memref<4x128xi32, #tpu.memory_space<vmem>>, vector<1x16xi32>,
    %get3A_98 = arith.constant 96 : index
    %get3A_99 = tpu.vector_load %arg5[%get3A_98] {strides = array<i32>} : memref<512xi32, #tpu.memory_space<vmem>>, vector<16xi32>,
    %get3A_100 = vector.shape_cast %get3A_99 : vector<16xi32> to vector<16xi32>
    %and3A_101 = arith.constant 127 : i32
    %and3A_102 = vector.broadcast %and3A_101 : i32 to vector<16xi32>
    %and3A_103 = arith.andi %get3A_100, %and3A_102 : vector<16xi32>
    %mul3A_104 = arith.constant 128 : i32
    %mul3A_105 = arith.muli %add3A, %mul3A_104 : i32
    %add3A_106 = vector.broadcast %mul3A_105 : i32 to vector<16xi32>
    %add3A_107 = arith.addi %add3A_106, %and3A_103 : vector<16xi32>
    %swap3A_108 = arith.constant 0 : i32
    %swap3A_109 = arith.index_cast %swap3A_108 : i32 to index
    %swap3A_110 = arith.constant 96 : index
    %swap3A_111 = tpu.vector_load %arg6[%swap3A_109, %swap3A_110] {strides = array<i32>} : memref<4x128xi32, #tpu.memory_space<vmem>>, vector<1x16xi32>,
    %swap3A_112 = vector.shape_cast %swap3A_111 : vector<1x16xi32> to vector<16xi32>
    %swap3A_113 = vector.shape_cast %add3A_107 : vector<16xi32> to vector<1x16xi32>
    tpu.vector_store %arg6[%swap3A_109, %swap3A_110], %swap3A_113 {strides = array<i32>} : memref<4x128xi32, #tpu.memory_space<vmem>>, vector<1x16xi32>,
    %get3A_114 = arith.constant 112 : index
    %get3A_115 = tpu.vector_load %arg5[%get3A_114] {strides = array<i32>} : memref<512xi32, #tpu.memory_space<vmem>>, vector<16xi32>,
    %get3A_116 = vector.shape_cast %get3A_115 : vector<16xi32> to vector<16xi32>
    %and3A_117 = arith.constant 127 : i32
    %and3A_118 = vector.broadcast %and3A_117 : i32 to vector<16xi32>
    %and3A_119 = arith.andi %get3A_116, %and3A_118 : vector<16xi32>
    %mul3A_120 = arith.constant 128 : i32
    %mul3A_121 = arith.muli %add3A, %mul3A_120 : i32
    %add3A_122 = vector.broadcast %mul3A_121 : i32 to vector<16xi32>
    %add3A_123 = arith.addi %add3A_122, %and3A_119 : vector<16xi32>
    %swap3A_124 = arith.constant 0 : i32
    %swap3A_125 = arith.index_cast %swap3A_124 : i32 to index
    %swap3A_126 = arith.constant 112 : index
    %swap3A_127 = tpu.vector_load %arg6[%swap3A_125, %swap3A_126] {strides = array<i32>} : memref<4x128xi32, #tpu.memory_space<vmem>>, vector<1x16xi32>,
    %swap3A_128 = vector.shape_cast %swap3A_127 : vector<1x16xi32> to vector<16xi32>
    %swap3A_129 = vector.shape_cast %add3A_123 : vector<16xi32> to vector<1x16xi32>
    tpu.vector_store %arg6[%swap3A_125, %swap3A_126], %swap3A_129 {strides = array<i32>} : memref<4x128xi32, #tpu.memory_space<vmem>>, vector<1x16xi32>,
    %get3A_130 = arith.constant 128 : index
    %get3A_131 = tpu.vector_load %arg5[%get3A_130] {strides = array<i32>} : memref<512xi32, #tpu.memory_space<vmem>>, vector<16xi32>,
    %get3A_132 = vector.shape_cast %get3A_131 : vector<16xi32> to vector<16xi32>
    %and3A_133 = arith.constant 127 : i32
    %and3A_134 = vector.broadcast %and3A_133 : i32 to vector<16xi32>
    %and3A_135 = arith.andi %get3A_132, %and3A_134 : vector<16xi32>
    %mul3A_136 = arith.constant 128 : i32
    %mul3A_137 = arith.muli %add3A, %mul3A_136 : i32
    %add3A_138 = vector.broadcast %mul3A_137 : i32 to vector<16xi32>
    %add3A_139 = arith.addi %add3A_138, %and3A_135 : vector<16xi32>
    %swap3A_140 = arith.constant 1 : i32
    %swap3A_141 = arith.index_cast %swap3A_140 : i32 to index
    %swap3A_142 = arith.constant 0 : index
    %swap3A_143 = tpu.vector_load %arg6[%swap3A_141, %swap3A_142] {strides = array<i32>} : memref<4x128xi32, #tpu.memory_space<vmem>>, vector<1x16xi32>,
    %swap3A_144 = vector.shape_cast %swap3A_143 : vector<1x16xi32> to vector<16xi32>
    %swap3A_145 = vector.shape_cast %add3A_139 : vector<16xi32> to vector<1x16xi32>
    tpu.vector_store %arg6[%swap3A_141, %swap3A_142], %swap3A_145 {strides = array<i32>} : memref<4x128xi32, #tpu.memory_space<vmem>>, vector<1x16xi32>,
    %get3A_146 = arith.constant 144 : index
    %get3A_147 = tpu.vector_load %arg5[%get3A_146] {strides = array<i32>} : memref<512xi32, #tpu.memory_space<vmem>>, vector<16xi32>,
    %get3A_148 = vector.shape_cast %get3A_147 : vector<16xi32> to vector<16xi32>
    %and3A_149 = arith.constant 127 : i32
    %and3A_150 = vector.broadcast %and3A_149 : i32 to vector<16xi32>
    %and3A_151 = arith.andi %get3A_148, %and3A_150 : vector<16xi32>
    %mul3A_152 = arith.constant 128 : i32
    %mul3A_153 = arith.muli %add3A, %mul3A_152 : i32
    %add3A_154 = vector.broadcast %mul3A_153 : i32 to vector<16xi32>
    %add3A_155 = arith.addi %add3A_154, %and3A_151 : vector<16xi32>
    %swap3A_156 = arith.constant 1 : i32
    %swap3A_157 = arith.index_cast %swap3A_156 : i32 to index
    %swap3A_158 = arith.constant 16 : index
    %swap3A_159 = tpu.vector_load %arg6[%swap3A_157, %swap3A_158] {strides = array<i32>} : memref<4x128xi32, #tpu.memory_space<vmem>>, vector<1x16xi32>,
    %swap3A_160 = vector.shape_cast %swap3A_159 : vector<1x16xi32> to vector<16xi32>
    %swap3A_161 = vector.shape_cast %add3A_155 : vector<16xi32> to vector<1x16xi32>
    tpu.vector_store %arg6[%swap3A_157, %swap3A_158], %swap3A_161 {strides = array<i32>} : memref<4x128xi32, #tpu.memory_space<vmem>>, vector<1x16xi32>,
    %get3A_162 = arith.constant 160 : index
    %get3A_163 = tpu.vector_load %arg5[%get3A_162] {strides = array<i32>} : memref<512xi32, #tpu.memory_space<vmem>>, vector<16xi32>,
    %get3A_164 = vector.shape_cast %get3A_163 : vector<16xi32> to vector<16xi32>
    %and3A_165 = arith.constant 127 : i32
    %and3A_166 = vector.broadcast %and3A_165 : i32 to vector<16xi32>
    %and3A_167 = arith.andi %get3A_164, %and3A_166 : vector<16xi32>
    %mul3A_168 = arith.constant 128 : i32
    %mul3A_169 = arith.muli %add3A, %mul3A_168 : i32
    %add3A_170 = vector.broadcast %mul3A_169 : i32 to vector<16xi32>
    %add3A_171 = arith.addi %add3A_170, %and3A_167 : vector<16xi32>
    %swap3A_172 = arith.constant 1 : i32
    %swap3A_173 = arith.index_cast %swap3A_172 : i32 to index
    %swap3A_174 = arith.constant 32 : index
    %swap3A_175 = tpu.vector_load %arg6[%swap3A_173, %swap3A_174] {strides = array<i32>} : memref<4x128xi32, #tpu.memory_space<vmem>>, vector<1x16xi32>,
    %swap3A_176 = vector.shape_cast %swap3A_175 : vector<1x16xi32> to vector<16xi32>
    %swap3A_177 = vector.shape_cast %add3A_171 : vector<16xi32> to vector<1x16xi32>
    tpu.vector_store %arg6[%swap3A_173, %swap3A_174], %swap3A_177 {strides = array<i32>} : memref<4x128xi32, #tpu.memory_space<vmem>>, vector<1x16xi32>,
    %get3A_178 = arith.constant 176 : index
    %get3A_179 = tpu.vector_load %arg5[%get3A_178] {strides = array<i32>} : memref<512xi32, #tpu.memory_space<vmem>>, vector<16xi32>,
    %get3A_180 = vector.shape_cast %get3A_179 : vector<16xi32> to vector<16xi32>
    %and3A_181 = arith.constant 127 : i32
    %and3A_182 = vector.broadcast %and3A_181 : i32 to vector<16xi32>
    %and3A_183 = arith.andi %get3A_180, %and3A_182 : vector<16xi32>
    %mul3A_184 = arith.constant 128 : i32
    %mul3A_185 = arith.muli %add3A, %mul3A_184 : i32
    %add3A_186 = vector.broadcast %mul3A_185 : i32 to vector<16xi32>
    %add3A_187 = arith.addi %add3A_186, %and3A_183 : vector<16xi32>
    %swap3A_188 = arith.constant 1 : i32
    %swap3A_189 = arith.index_cast %swap3A_188 : i32 to index
    %swap3A_190 = arith.constant 48 : index
    %swap3A_191 = tpu.vector_load %arg6[%swap3A_189, %swap3A_190] {strides = array<i32>} : memref<4x128xi32, #tpu.memory_space<vmem>>, vector<1x16xi32>,
    %swap3A_192 = vector.shape_cast %swap3A_191 : vector<1x16xi32> to vector<16xi32>
    %swap3A_193 = vector.shape_cast %add3A_187 : vector<16xi32> to vector<1x16xi32>
    tpu.vector_store %arg6[%swap3A_189, %swap3A_190], %swap3A_193 {strides = array<i32>} : memref<4x128xi32, #tpu.memory_space<vmem>>, vector<1x16xi32>,
    %get3A_194 = arith.constant 192 : index
    %get3A_195 = tpu.vector_load %arg5[%get3A_194] {strides = array<i32>} : memref<512xi32, #tpu.memory_space<vmem>>, vector<16xi32>,
    %get3A_196 = vector.shape_cast %get3A_195 : vector<16xi32> to vector<16xi32>
    %and3A_197 = arith.constant 127 : i32
    %and3A_198 = vector.broadcast %and3A_197 : i32 to vector<16xi32>
    %and3A_199 = arith.andi %get3A_196, %and3A_198 : vector<16xi32>
    %mul3A_200 = arith.constant 128 : i32
    %mul3A_201 = arith.muli %add3A, %mul3A_200 : i32
    %add3A_202 = vector.broadcast %mul3A_201 : i32 to vector<16xi32>
    %add3A_203 = arith.addi %add3A_202, %and3A_199 : vector<16xi32>
    %swap3A_204 = arith.constant 1 : i32
    %swap3A_205 = arith.index_cast %swap3A_204 : i32 to index
    %swap3A_206 = arith.constant 64 : index
    %swap3A_207 = tpu.vector_load %arg6[%swap3A_205, %swap3A_206] {strides = array<i32>} : memref<4x128xi32, #tpu.memory_space<vmem>>, vector<1x16xi32>,
    %swap3A_208 = vector.shape_cast %swap3A_207 : vector<1x16xi32> to vector<16xi32>
    %swap3A_209 = vector.shape_cast %add3A_203 : vector<16xi32> to vector<1x16xi32>
    tpu.vector_store %arg6[%swap3A_205, %swap3A_206], %swap3A_209 {strides = array<i32>} : memref<4x128xi32, #tpu.memory_space<vmem>>, vector<1x16xi32>,
    %get3A_210 = arith.constant 208 : index
    %get3A_211 = tpu.vector_load %arg5[%get3A_210] {strides = array<i32>} : memref<512xi32, #tpu.memory_space<vmem>>, vector<16xi32>,
    %get3A_212 = vector.shape_cast %get3A_211 : vector<16xi32> to vector<16xi32>
    %and3A_213 = arith.constant 127 : i32
    %and3A_214 = vector.broadcast %and3A_213 : i32 to vector<16xi32>
    %and3A_215 = arith.andi %get3A_212, %and3A_214 : vector<16xi32>
    %mul3A_216 = arith.constant 128 : i32
    %mul3A_217 = arith.muli %add3A, %mul3A_216 : i32
    %add3A_218 = vector.broadcast %mul3A_217 : i32 to vector<16xi32>
    %add3A_219 = arith.addi %add3A_218, %and3A_215 : vector<16xi32>
    %swap3A_220 = arith.constant 1 : i32
    %swap3A_221 = arith.index_cast %swap3A_220 : i32 to index
    %swap3A_222 = arith.constant 80 : index
    %swap3A_223 = tpu.vector_load %arg6[%swap3A_221, %swap3A_222] {strides = array<i32>} : memref<4x128xi32, #tpu.memory_space<vmem>>, vector<1x16xi32>,
    %swap3A_224 = vector.shape_cast %swap3A_223 : vector<1x16xi32> to vector<16xi32>
    %swap3A_225 = vector.shape_cast %add3A_219 : vector<16xi32> to vector<1x16xi32>
    tpu.vector_store %arg6[%swap3A_221, %swap3A_222], %swap3A_225 {strides = array<i32>} : memref<4x128xi32, #tpu.memory_space<vmem>>, vector<1x16xi32>,
    %get3A_226 = arith.constant 224 : index
    %get3A_227 = tpu.vector_load %arg5[%get3A_226] {strides = array<i32>} : memref<512xi32, #tpu.memory_space<vmem>>, vector<16xi32>,
    %get3A_228 = vector.shape_cast %get3A_227 : vector<16xi32> to vector<16xi32>
    %and3A_229 = arith.constant 127 : i32
    %and3A_230 = vector.broadcast %and3A_229 : i32 to vector<16xi32>
    %and3A_231 = arith.andi %get3A_228, %and3A_230 : vector<16xi32>
    %mul3A_232 = arith.constant 128 : i32
    %mul3A_233 = arith.muli %add3A, %mul3A_232 : i32
    %add3A_234 = vector.broadcast %mul3A_233 : i32 to vector<16xi32>
    %add3A_235 = arith.addi %add3A_234, %and3A_231 : vector<16xi32>
    %swap3A_236 = arith.constant 1 : i32
    %swap3A_237 = arith.index_cast %swap3A_236 : i32 to index
    %swap3A_238 = arith.constant 96 : index
    %swap3A_239 = tpu.vector_load %arg6[%swap3A_237, %swap3A_238] {strides = array<i32>} : memref<4x128xi32, #tpu.memory_space<vmem>>, vector<1x16xi32>,
    %swap3A_240 = vector.shape_cast %swap3A_239 : vector<1x16xi32> to vector<16xi32>
    %swap3A_241 = vector.shape_cast %add3A_235 : vector<16xi32> to vector<1x16xi32>
    tpu.vector_store %arg6[%swap3A_237, %swap3A_238], %swap3A_241 {strides = array<i32>} : memref<4x128xi32, #tpu.memory_space<vmem>>, vector<1x16xi32>,
    %get3A_242 = arith.constant 240 : index
    %get3A_243 = tpu.vector_load %arg5[%get3A_242] {strides = array<i32>} : memref<512xi32, #tpu.memory_space<vmem>>, vector<16xi32>,
    %get3A_244 = vector.shape_cast %get3A_243 : vector<16xi32> to vector<16xi32>
    %and3A_245 = arith.constant 127 : i32
    %and3A_246 = vector.broadcast %and3A_245 : i32 to vector<16xi32>
    %and3A_247 = arith.andi %get3A_244, %and3A_246 : vector<16xi32>
    %mul3A_248 = arith.constant 128 : i32
    %mul3A_249 = arith.muli %add3A, %mul3A_248 : i32
    %add3A_250 = vector.broadcast %mul3A_249 : i32 to vector<16xi32>
    %add3A_251 = arith.addi %add3A_250, %and3A_247 : vector<16xi32>
    %swap3A_252 = arith.constant 1 : i32
    %swap3A_253 = arith.index_cast %swap3A_252 : i32 to index
    %swap3A_254 = arith.constant 112 : index
    %swap3A_255 = tpu.vector_load %arg6[%swap3A_253, %swap3A_254] {strides = array<i32>} : memref<4x128xi32, #tpu.memory_space<vmem>>, vector<1x16xi32>,
    %swap3A_256 = vector.shape_cast %swap3A_255 : vector<1x16xi32> to vector<16xi32>
    %swap3A_257 = vector.shape_cast %add3A_251 : vector<16xi32> to vector<1x16xi32>
    tpu.vector_store %arg6[%swap3A_253, %swap3A_254], %swap3A_257 {strides = array<i32>} : memref<4x128xi32, #tpu.memory_space<vmem>>, vector<1x16xi32>,
    %get3A_258 = arith.constant 256 : index
    %get3A_259 = tpu.vector_load %arg5[%get3A_258] {strides = array<i32>} : memref<512xi32, #tpu.memory_space<vmem>>, vector<16xi32>,
    %get3A_260 = vector.shape_cast %get3A_259 : vector<16xi32> to vector<16xi32>
    %and3A_261 = arith.constant 127 : i32
    %and3A_262 = vector.broadcast %and3A_261 : i32 to vector<16xi32>
    %and3A_263 = arith.andi %get3A_260, %and3A_262 : vector<16xi32>
    %mul3A_264 = arith.constant 128 : i32
    %mul3A_265 = arith.muli %add3A, %mul3A_264 : i32
    %add3A_266 = vector.broadcast %mul3A_265 : i32 to vector<16xi32>
    %add3A_267 = arith.addi %add3A_266, %and3A_263 : vector<16xi32>
    %swap3A_268 = arith.constant 2 : i32
    %swap3A_269 = arith.index_cast %swap3A_268 : i32 to index
    %swap3A_270 = arith.constant 0 : index
    %swap3A_271 = tpu.vector_load %arg6[%swap3A_269, %swap3A_270] {strides = array<i32>} : memref<4x128xi32, #tpu.memory_space<vmem>>, vector<1x16xi32>,
    %swap3A_272 = vector.shape_cast %swap3A_271 : vector<1x16xi32> to vector<16xi32>
    %swap3A_273 = vector.shape_cast %add3A_267 : vector<16xi32> to vector<1x16xi32>
    tpu.vector_store %arg6[%swap3A_269, %swap3A_270], %swap3A_273 {strides = array<i32>} : memref<4x128xi32, #tpu.memory_space<vmem>>, vector<1x16xi32>,
    %get3A_274 = arith.constant 272 : index
    %get3A_275 = tpu.vector_load %arg5[%get3A_274] {strides = array<i32>} : memref<512xi32, #tpu.memory_space<vmem>>, vector<16xi32>,
    %get3A_276 = vector.shape_cast %get3A_275 : vector<16xi32> to vector<16xi32>
    %and3A_277 = arith.constant 127 : i32
    %and3A_278 = vector.broadcast %and3A_277 : i32 to vector<16xi32>
    %and3A_279 = arith.andi %get3A_276, %and3A_278 : vector<16xi32>
    %mul3A_280 = arith.constant 128 : i32
    %mul3A_281 = arith.muli %add3A, %mul3A_280 : i32
    %add3A_282 = vector.broadcast %mul3A_281 : i32 to vector<16xi32>
    %add3A_283 = arith.addi %add3A_282, %and3A_279 : vector<16xi32>
    %swap3A_284 = arith.constant 2 : i32
    %swap3A_285 = arith.index_cast %swap3A_284 : i32 to index
    %swap3A_286 = arith.constant 16 : index
    %swap3A_287 = tpu.vector_load %arg6[%swap3A_285, %swap3A_286] {strides = array<i32>} : memref<4x128xi32, #tpu.memory_space<vmem>>, vector<1x16xi32>,
    %swap3A_288 = vector.shape_cast %swap3A_287 : vector<1x16xi32> to vector<16xi32>
    %swap3A_289 = vector.shape_cast %add3A_283 : vector<16xi32> to vector<1x16xi32>
    tpu.vector_store %arg6[%swap3A_285, %swap3A_286], %swap3A_289 {strides = array<i32>} : memref<4x128xi32, #tpu.memory_space<vmem>>, vector<1x16xi32>,
    %get3A_290 = arith.constant 288 : index
    %get3A_291 = tpu.vector_load %arg5[%get3A_290] {strides = array<i32>} : memref<512xi32, #tpu.memory_space<vmem>>, vector<16xi32>,
    %get3A_292 = vector.shape_cast %get3A_291 : vector<16xi32> to vector<16xi32>
    %and3A_293 = arith.constant 127 : i32
    %and3A_294 = vector.broadcast %and3A_293 : i32 to vector<16xi32>
    %and3A_295 = arith.andi %get3A_292, %and3A_294 : vector<16xi32>
    %mul3A_296 = arith.constant 128 : i32
    %mul3A_297 = arith.muli %add3A, %mul3A_296 : i32
    %add3A_298 = vector.broadcast %mul3A_297 : i32 to vector<16xi32>
    %add3A_299 = arith.addi %add3A_298, %and3A_295 : vector<16xi32>
    %swap3A_300 = arith.constant 2 : i32
    %swap3A_301 = arith.index_cast %swap3A_300 : i32 to index
    %swap3A_302 = arith.constant 32 : index
    %swap3A_303 = tpu.vector_load %arg6[%swap3A_301, %swap3A_302] {strides = array<i32>} : memref<4x128xi32, #tpu.memory_space<vmem>>, vector<1x16xi32>,
    %swap3A_304 = vector.shape_cast %swap3A_303 : vector<1x16xi32> to vector<16xi32>
    %swap3A_305 = vector.shape_cast %add3A_299 : vector<16xi32> to vector<1x16xi32>
    tpu.vector_store %arg6[%swap3A_301, %swap3A_302], %swap3A_305 {strides = array<i32>} : memref<4x128xi32, #tpu.memory_space<vmem>>, vector<1x16xi32>,
    %get3A_306 = arith.constant 304 : index
    %get3A_307 = tpu.vector_load %arg5[%get3A_306] {strides = array<i32>} : memref<512xi32, #tpu.memory_space<vmem>>, vector<16xi32>,
    %get3A_308 = vector.shape_cast %get3A_307 : vector<16xi32> to vector<16xi32>
    %and3A_309 = arith.constant 127 : i32
    %and3A_310 = vector.broadcast %and3A_309 : i32 to vector<16xi32>
    %and3A_311 = arith.andi %get3A_308, %and3A_310 : vector<16xi32>
    %mul3A_312 = arith.constant 128 : i32
    %mul3A_313 = arith.muli %add3A, %mul3A_312 : i32
    %add3A_314 = vector.broadcast %mul3A_313 : i32 to vector<16xi32>
    %add3A_315 = arith.addi %add3A_314, %and3A_311 : vector<16xi32>
    %swap3A_316 = arith.constant 2 : i32
    %swap3A_317 = arith.index_cast %swap3A_316 : i32 to index
    %swap3A_318 = arith.constant 48 : index
    %swap3A_319 = tpu.vector_load %arg6[%swap3A_317, %swap3A_318] {strides = array<i32>} : memref<4x128xi32, #tpu.memory_space<vmem>>, vector<1x16xi32>,
    %swap3A_320 = vector.shape_cast %swap3A_319 : vector<1x16xi32> to vector<16xi32>
    %swap3A_321 = vector.shape_cast %add3A_315 : vector<16xi32> to vector<1x16xi32>
    tpu.vector_store %arg6[%swap3A_317, %swap3A_318], %swap3A_321 {strides = array<i32>} : memref<4x128xi32, #tpu.memory_space<vmem>>, vector<1x16xi32>,
    %get3A_322 = arith.constant 320 : index
    %get3A_323 = tpu.vector_load %arg5[%get3A_322] {strides = array<i32>} : memref<512xi32, #tpu.memory_space<vmem>>, vector<16xi32>,
    %get3A_324 = vector.shape_cast %get3A_323 : vector<16xi32> to vector<16xi32>
    %and3A_325 = arith.constant 127 : i32
    %and3A_326 = vector.broadcast %and3A_325 : i32 to vector<16xi32>
    %and3A_327 = arith.andi %get3A_324, %and3A_326 : vector<16xi32>
    %mul3A_328 = arith.constant 128 : i32
    %mul3A_329 = arith.muli %add3A, %mul3A_328 : i32
    %add3A_330 = vector.broadcast %mul3A_329 : i32 to vector<16xi32>
    %add3A_331 = arith.addi %add3A_330, %and3A_327 : vector<16xi32>
    %swap3A_332 = arith.constant 2 : i32
    %swap3A_333 = arith.index_cast %swap3A_332 : i32 to index
    %swap3A_334 = arith.constant 64 : index
    %swap3A_335 = tpu.vector_load %arg6[%swap3A_333, %swap3A_334] {strides = array<i32>} : memref<4x128xi32, #tpu.memory_space<vmem>>, vector<1x16xi32>,
    %swap3A_336 = vector.shape_cast %swap3A_335 : vector<1x16xi32> to vector<16xi32>
    %swap3A_337 = vector.shape_cast %add3A_331 : vector<16xi32> to vector<1x16xi32>
    tpu.vector_store %arg6[%swap3A_333, %swap3A_334], %swap3A_337 {strides = array<i32>} : memref<4x128xi32, #tpu.memory_space<vmem>>, vector<1x16xi32>,
    %get3A_338 = arith.constant 336 : index
    %get3A_339 = tpu.vector_load %arg5[%get3A_338] {strides = array<i32>} : memref<512xi32, #tpu.memory_space<vmem>>, vector<16xi32>,
    %get3A_340 = vector.shape_cast %get3A_339 : vector<16xi32> to vector<16xi32>
    %and3A_341 = arith.constant 127 : i32
    %and3A_342 = vector.broadcast %and3A_341 : i32 to vector<16xi32>
    %and3A_343 = arith.andi %get3A_340, %and3A_342 : vector<16xi32>
    %mul3A_344 = arith.constant 128 : i32
    %mul3A_345 = arith.muli %add3A, %mul3A_344 : i32
    %add3A_346 = vector.broadcast %mul3A_345 : i32 to vector<16xi32>
    %add3A_347 = arith.addi %add3A_346, %and3A_343 : vector<16xi32>
    %swap3A_348 = arith.constant 2 : i32
    %swap3A_349 = arith.index_cast %swap3A_348 : i32 to index
    %swap3A_350 = arith.constant 80 : index
    %swap3A_351 = tpu.vector_load %arg6[%swap3A_349, %swap3A_350] {strides = array<i32>} : memref<4x128xi32, #tpu.memory_space<vmem>>, vector<1x16xi32>,
    %swap3A_352 = vector.shape_cast %swap3A_351 : vector<1x16xi32> to vector<16xi32>
    %swap3A_353 = vector.shape_cast %add3A_347 : vector<16xi32> to vector<1x16xi32>
    tpu.vector_store %arg6[%swap3A_349, %swap3A_350], %swap3A_353 {strides = array<i32>} : memref<4x128xi32, #tpu.memory_space<vmem>>, vector<1x16xi32>,
    %get3A_354 = arith.constant 352 : index
    %get3A_355 = tpu.vector_load %arg5[%get3A_354] {strides = array<i32>} : memref<512xi32, #tpu.memory_space<vmem>>, vector<16xi32>,
    %get3A_356 = vector.shape_cast %get3A_355 : vector<16xi32> to vector<16xi32>
    %and3A_357 = arith.constant 127 : i32
    %and3A_358 = vector.broadcast %and3A_357 : i32 to vector<16xi32>
    %and3A_359 = arith.andi %get3A_356, %and3A_358 : vector<16xi32>
    %mul3A_360 = arith.constant 128 : i32
    %mul3A_361 = arith.muli %add3A, %mul3A_360 : i32
    %add3A_362 = vector.broadcast %mul3A_361 : i32 to vector<16xi32>
    %add3A_363 = arith.addi %add3A_362, %and3A_359 : vector<16xi32>
    %swap3A_364 = arith.constant 2 : i32
    %swap3A_365 = arith.index_cast %swap3A_364 : i32 to index
    %swap3A_366 = arith.constant 96 : index
    %swap3A_367 = tpu.vector_load %arg6[%swap3A_365, %swap3A_366] {strides = array<i32>} : memref<4x128xi32, #tpu.memory_space<vmem>>, vector<1x16xi32>,
    %swap3A_368 = vector.shape_cast %swap3A_367 : vector<1x16xi32> to vector<16xi32>
    %swap3A_369 = vector.shape_cast %add3A_363 : vector<16xi32> to vector<1x16xi32>
    tpu.vector_store %arg6[%swap3A_365, %swap3A_366], %swap3A_369 {strides = array<i32>} : memref<4x128xi32, #tpu.memory_space<vmem>>, vector<1x16xi32>,
    %get3A_370 = arith.constant 368 : index
    %get3A_371 = tpu.vector_load %arg5[%get3A_370] {strides = array<i32>} : memref<512xi32, #tpu.memory_space<vmem>>, vector<16xi32>,
    %get3A_372 = vector.shape_cast %get3A_371 : vector<16xi32> to vector<16xi32>
    %and3A_373 = arith.constant 127 : i32
    %and3A_374 = vector.broadcast %and3A_373 : i32 to vector<16xi32>
    %and3A_375 = arith.andi %get3A_372, %and3A_374 : vector<16xi32>
    %mul3A_376 = arith.constant 128 : i32
    %mul3A_377 = arith.muli %add3A, %mul3A_376 : i32
    %add3A_378 = vector.broadcast %mul3A_377 : i32 to vector<16xi32>
    %add3A_379 = arith.addi %add3A_378, %and3A_375 : vector<16xi32>
    %swap3A_380 = arith.constant 2 : i32
    %swap3A_381 = arith.index_cast %swap3A_380 : i32 to index
    %swap3A_382 = arith.constant 112 : index
    %swap3A_383 = tpu.vector_load %arg6[%swap3A_381, %swap3A_382] {strides = array<i32>} : memref<4x128xi32, #tpu.memory_space<vmem>>, vector<1x16xi32>,
    %swap3A_384 = vector.shape_cast %swap3A_383 : vector<1x16xi32> to vector<16xi32>
    %swap3A_385 = vector.shape_cast %add3A_379 : vector<16xi32> to vector<1x16xi32>
    tpu.vector_store %arg6[%swap3A_381, %swap3A_382], %swap3A_385 {strides = array<i32>} : memref<4x128xi32, #tpu.memory_space<vmem>>, vector<1x16xi32>,
    %get3A_386 = arith.constant 384 : index
    %get3A_387 = tpu.vector_load %arg5[%get3A_386] {strides = array<i32>} : memref<512xi32, #tpu.memory_space<vmem>>, vector<16xi32>,
    %get3A_388 = vector.shape_cast %get3A_387 : vector<16xi32> to vector<16xi32>
    %and3A_389 = arith.constant 127 : i32
    %and3A_390 = vector.broadcast %and3A_389 : i32 to vector<16xi32>
    %and3A_391 = arith.andi %get3A_388, %and3A_390 : vector<16xi32>
    %mul3A_392 = arith.constant 128 : i32
    %mul3A_393 = arith.muli %add3A, %mul3A_392 : i32
    %add3A_394 = vector.broadcast %mul3A_393 : i32 to vector<16xi32>
    %add3A_395 = arith.addi %add3A_394, %and3A_391 : vector<16xi32>
    %swap3A_396 = arith.constant 3 : i32
    %swap3A_397 = arith.index_cast %swap3A_396 : i32 to index
    %swap3A_398 = arith.constant 0 : index
    %swap3A_399 = tpu.vector_load %arg6[%swap3A_397, %swap3A_398] {strides = array<i32>} : memref<4x128xi32, #tpu.memory_space<vmem>>, vector<1x16xi32>,
    %swap3A_400 = vector.shape_cast %swap3A_399 : vector<1x16xi32> to vector<16xi32>
    %swap3A_401 = vector.shape_cast %add3A_395 : vector<16xi32> to vector<1x16xi32>
    tpu.vector_store %arg6[%swap3A_397, %swap3A_398], %swap3A_401 {strides = array<i32>} : memref<4x128xi32, #tpu.memory_space<vmem>>, vector<1x16xi32>,
    %get3A_402 = arith.constant 400 : index
    %get3A_403 = tpu.vector_load %arg5[%get3A_402] {strides = array<i32>} : memref<512xi32, #tpu.memory_space<vmem>>, vector<16xi32>,
    %get3A_404 = vector.shape_cast %get3A_403 : vector<16xi32> to vector<16xi32>
    %and3A_405 = arith.constant 127 : i32
    %and3A_406 = vector.broadcast %and3A_405 : i32 to vector<16xi32>
    %and3A_407 = arith.andi %get3A_404, %and3A_406 : vector<16xi32>
    %mul3A_408 = arith.constant 128 : i32
    %mul3A_409 = arith.muli %add3A, %mul3A_408 : i32
    %add3A_410 = vector.broadcast %mul3A_409 : i32 to vector<16xi32>
    %add3A_411 = arith.addi %add3A_410, %and3A_407 : vector<16xi32>
    %swap3A_412 = arith.constant 3 : i32
    %swap3A_413 = arith.index_cast %swap3A_412 : i32 to index
    %swap3A_414 = arith.constant 16 : index
    %swap3A_415 = tpu.vector_load %arg6[%swap3A_413, %swap3A_414] {strides = array<i32>} : memref<4x128xi32, #tpu.memory_space<vmem>>, vector<1x16xi32>,
    %swap3A_416 = vector.shape_cast %swap3A_415 : vector<1x16xi32> to vector<16xi32>
    %swap3A_417 = vector.shape_cast %add3A_411 : vector<16xi32> to vector<1x16xi32>
    tpu.vector_store %arg6[%swap3A_413, %swap3A_414], %swap3A_417 {strides = array<i32>} : memref<4x128xi32, #tpu.memory_space<vmem>>, vector<1x16xi32>,
    %get3A_418 = arith.constant 416 : index
    %get3A_419 = tpu.vector_load %arg5[%get3A_418] {strides = array<i32>} : memref<512xi32, #tpu.memory_space<vmem>>, vector<16xi32>,
    %get3A_420 = vector.shape_cast %get3A_419 : vector<16xi32> to vector<16xi32>
    %and3A_421 = arith.constant 127 : i32
    %and3A_422 = vector.broadcast %and3A_421 : i32 to vector<16xi32>
    %and3A_423 = arith.andi %get3A_420, %and3A_422 : vector<16xi32>
    %mul3A_424 = arith.constant 128 : i32
    %mul3A_425 = arith.muli %add3A, %mul3A_424 : i32
    %add3A_426 = vector.broadcast %mul3A_425 : i32 to vector<16xi32>
    %add3A_427 = arith.addi %add3A_426, %and3A_423 : vector<16xi32>
    %swap3A_428 = arith.constant 3 : i32
    %swap3A_429 = arith.index_cast %swap3A_428 : i32 to index
    %swap3A_430 = arith.constant 32 : index
    %swap3A_431 = tpu.vector_load %arg6[%swap3A_429, %swap3A_430] {strides = array<i32>} : memref<4x128xi32, #tpu.memory_space<vmem>>, vector<1x16xi32>,
    %swap3A_432 = vector.shape_cast %swap3A_431 : vector<1x16xi32> to vector<16xi32>
    %swap3A_433 = vector.shape_cast %add3A_427 : vector<16xi32> to vector<1x16xi32>
    tpu.vector_store %arg6[%swap3A_429, %swap3A_430], %swap3A_433 {strides = array<i32>} : memref<4x128xi32, #tpu.memory_space<vmem>>, vector<1x16xi32>,
    %get3A_434 = arith.constant 432 : index
    %get3A_435 = tpu.vector_load %arg5[%get3A_434] {strides = array<i32>} : memref<512xi32, #tpu.memory_space<vmem>>, vector<16xi32>,
    %get3A_436 = vector.shape_cast %get3A_435 : vector<16xi32> to vector<16xi32>
    %and3A_437 = arith.constant 127 : i32
    %and3A_438 = vector.broadcast %and3A_437 : i32 to vector<16xi32>
    %and3A_439 = arith.andi %get3A_436, %and3A_438 : vector<16xi32>
    %mul3A_440 = arith.constant 128 : i32
    %mul3A_441 = arith.muli %add3A, %mul3A_440 : i32
    %add3A_442 = vector.broadcast %mul3A_441 : i32 to vector<16xi32>
    %add3A_443 = arith.addi %add3A_442, %and3A_439 : vector<16xi32>
    %swap3A_444 = arith.constant 3 : i32
    %swap3A_445 = arith.index_cast %swap3A_444 : i32 to index
    %swap3A_446 = arith.constant 48 : index
    %swap3A_447 = tpu.vector_load %arg6[%swap3A_445, %swap3A_446] {strides = array<i32>} : memref<4x128xi32, #tpu.memory_space<vmem>>, vector<1x16xi32>,
    %swap3A_448 = vector.shape_cast %swap3A_447 : vector<1x16xi32> to vector<16xi32>
    %swap3A_449 = vector.shape_cast %add3A_443 : vector<16xi32> to vector<1x16xi32>
    tpu.vector_store %arg6[%swap3A_445, %swap3A_446], %swap3A_449 {strides = array<i32>} : memref<4x128xi32, #tpu.memory_space<vmem>>, vector<1x16xi32>,
    %get3A_450 = arith.constant 448 : index
    %get3A_451 = tpu.vector_load %arg5[%get3A_450] {strides = array<i32>} : memref<512xi32, #tpu.memory_space<vmem>>, vector<16xi32>,
    %get3A_452 = vector.shape_cast %get3A_451 : vector<16xi32> to vector<16xi32>
    %and3A_453 = arith.constant 127 : i32
    %and3A_454 = vector.broadcast %and3A_453 : i32 to vector<16xi32>
    %and3A_455 = arith.andi %get3A_452, %and3A_454 : vector<16xi32>
    %mul3A_456 = arith.constant 128 : i32
    %mul3A_457 = arith.muli %add3A, %mul3A_456 : i32
    %add3A_458 = vector.broadcast %mul3A_457 : i32 to vector<16xi32>
    %add3A_459 = arith.addi %add3A_458, %and3A_455 : vector<16xi32>
    %swap3A_460 = arith.constant 3 : i32
    %swap3A_461 = arith.index_cast %swap3A_460 : i32 to index
    %swap3A_462 = arith.constant 64 : index
    %swap3A_463 = tpu.vector_load %arg6[%swap3A_461, %swap3A_462] {strides = array<i32>} : memref<4x128xi32, #tpu.memory_space<vmem>>, vector<1x16xi32>,
    %swap3A_464 = vector.shape_cast %swap3A_463 : vector<1x16xi32> to vector<16xi32>
    %swap3A_465 = vector.shape_cast %add3A_459 : vector<16xi32> to vector<1x16xi32>
    tpu.vector_store %arg6[%swap3A_461, %swap3A_462], %swap3A_465 {strides = array<i32>} : memref<4x128xi32, #tpu.memory_space<vmem>>, vector<1x16xi32>,
    %get3A_466 = arith.constant 464 : index
    %get3A_467 = tpu.vector_load %arg5[%get3A_466] {strides = array<i32>} : memref<512xi32, #tpu.memory_space<vmem>>, vector<16xi32>,
    %get3A_468 = vector.shape_cast %get3A_467 : vector<16xi32> to vector<16xi32>
    %and3A_469 = arith.constant 127 : i32
    %and3A_470 = vector.broadcast %and3A_469 : i32 to vector<16xi32>
    %and3A_471 = arith.andi %get3A_468, %and3A_470 : vector<16xi32>
    %mul3A_472 = arith.constant 128 : i32
    %mul3A_473 = arith.muli %add3A, %mul3A_472 : i32
    %add3A_474 = vector.broadcast %mul3A_473 : i32 to vector<16xi32>
    %add3A_475 = arith.addi %add3A_474, %and3A_471 : vector<16xi32>
    %swap3A_476 = arith.constant 3 : i32
    %swap3A_477 = arith.index_cast %swap3A_476 : i32 to index
    %swap3A_478 = arith.constant 80 : index
    %swap3A_479 = tpu.vector_load %arg6[%swap3A_477, %swap3A_478] {strides = array<i32>} : memref<4x128xi32, #tpu.memory_space<vmem>>, vector<1x16xi32>,
    %swap3A_480 = vector.shape_cast %swap3A_479 : vector<1x16xi32> to vector<16xi32>
    %swap3A_481 = vector.shape_cast %add3A_475 : vector<16xi32> to vector<1x16xi32>
    tpu.vector_store %arg6[%swap3A_477, %swap3A_478], %swap3A_481 {strides = array<i32>} : memref<4x128xi32, #tpu.memory_space<vmem>>, vector<1x16xi32>,
    %get3A_482 = arith.constant 480 : index
    %get3A_483 = tpu.vector_load %arg5[%get3A_482] {strides = array<i32>} : memref<512xi32, #tpu.memory_space<vmem>>, vector<16xi32>,
    %get3A_484 = vector.shape_cast %get3A_483 : vector<16xi32> to vector<16xi32>
    %and3A_485 = arith.constant 127 : i32
    %and3A_486 = vector.broadcast %and3A_485 : i32 to vector<16xi32>
    %and3A_487 = arith.andi %get3A_484, %and3A_486 : vector<16xi32>
    %mul3A_488 = arith.constant 128 : i32
    %mul3A_489 = arith.muli %add3A, %mul3A_488 : i32
    %add3A_490 = vector.broadcast %mul3A_489 : i32 to vector<16xi32>
    %add3A_491 = arith.addi %add3A_490, %and3A_487 : vector<16xi32>
    %swap3A_492 = arith.constant 3 : i32
    %swap3A_493 = arith.index_cast %swap3A_492 : i32 to index
    %swap3A_494 = arith.constant 96 : index
    %swap3A_495 = tpu.vector_load %arg6[%swap3A_493, %swap3A_494] {strides = array<i32>} : memref<4x128xi32, #tpu.memory_space<vmem>>, vector<1x16xi32>,
    %swap3A_496 = vector.shape_cast %swap3A_495 : vector<1x16xi32> to vector<16xi32>
    %swap3A_497 = vector.shape_cast %add3A_491 : vector<16xi32> to vector<1x16xi32>
    tpu.vector_store %arg6[%swap3A_493, %swap3A_494], %swap3A_497 {strides = array<i32>} : memref<4x128xi32, #tpu.memory_space<vmem>>, vector<1x16xi32>,
    %get3A_498 = arith.constant 496 : index
    %get3A_499 = tpu.vector_load %arg5[%get3A_498] {strides = array<i32>} : memref<512xi32, #tpu.memory_space<vmem>>, vector<16xi32>,
    %get3A_500 = vector.shape_cast %get3A_499 : vector<16xi32> to vector<16xi32>
    %and3A_501 = arith.constant 127 : i32
    %and3A_502 = vector.broadcast %and3A_501 : i32 to vector<16xi32>
    %and3A_503 = arith.andi %get3A_500, %and3A_502 : vector<16xi32>
    %mul3A_504 = arith.constant 128 : i32
    %mul3A_505 = arith.muli %add3A, %mul3A_504 : i32
    %add3A_506 = vector.broadcast %mul3A_505 : i32 to vector<16xi32>
    %add3A_507 = arith.addi %add3A_506, %and3A_503 : vector<16xi32>
    %swap3A_508 = arith.constant 3 : i32
    %swap3A_509 = arith.index_cast %swap3A_508 : i32 to index
    %swap3A_510 = arith.constant 112 : index
    %swap3A_511 = tpu.vector_load %arg6[%swap3A_509, %swap3A_510] {strides = array<i32>} : memref<4x128xi32, #tpu.memory_space<vmem>>, vector<1x16xi32>,
    %swap3A_512 = vector.shape_cast %swap3A_511 : vector<1x16xi32> to vector<16xi32>
    %swap3A_513 = vector.shape_cast %add3A_507 : vector<16xi32> to vector<1x16xi32>
    tpu.vector_store %arg6[%swap3A_509, %swap3A_510], %swap3A_513 {strides = array<i32>} : memref<4x128xi32, #tpu.memory_space<vmem>>, vector<1x16xi32>,
    %dma_start3A_514 = arith.constant 0 : i32
    %dma_start3A_515 = arith.constant 0 : i32
    %dma_start3A_516 = arith.constant 0 : i32
    %dma_start3A_517 = arith.constant 0 : i32
    %dma_start3A_518 = tpu.memref_slice %arg7[%dma_start3A_515, %dma_start3A_516, %dma_start3A_517] : memref<2x128x128xf32, #tpu.memory_space<vmem>> -> memref<1x128x128xf32, #tpu.memory_space<vmem>>
    %dma_start3A_519 = tpu.memref_squeeze %dma_start3A_518 : memref<1x128x128xf32, #tpu.memory_space<vmem>> -> memref<128x128xf32, #tpu.memory_space<vmem>>
    %dma_start3A_520 = arith.constant 0 : i32
    %dma_start3A_521 = tpu.memref_slice %arg6[%dma_start3A_514, %dma_start3A_520] : memref<4x128xi32, #tpu.memory_space<vmem>> -> memref<1x128xi32, #tpu.memory_space<vmem>>
    %dma_start3A_522 = tpu.memref_squeeze %dma_start3A_521 : memref<1x128xi32, #tpu.memory_space<vmem>> -> memref<128xi32, #tpu.memory_space<vmem>>
    %dma_start3A_523 = arith.constant 0 : i32
    %dma_start3A_524 = arith.constant 0 : i32
    %dma_start3A_525 = tpu.memref_slice %arg3[%dma_start3A_523, %dma_start3A_524] : memref<4096x128xf32, #tpu.memory_space<hbm>> -> memref<4096x128xf32, #tpu.memory_space<hbm>>
    tpu.enqueue_indirect_dma source(%dma_start3A_525 : memref<4096x128xf32, #tpu.memory_space<hbm>>) target(%dma_start3A_519 : memref<128x128xf32, #tpu.memory_space<vmem>>) offsets(%dma_start3A_522 : memref<128xi32, #tpu.memory_space<vmem>>) semaphore(%arg9 : memref<!tpu.dma_semaphore, #tpu.memory_space<semaphore_mem>>)
    %dma_start3A_526 = arith.constant 1 : i32
    %dma_start3A_527 = arith.constant 1 : i32
    %dma_start3A_528 = arith.constant 0 : i32
    %dma_start3A_529 = arith.constant 0 : i32
    %dma_start3A_530 = tpu.memref_slice %arg7[%dma_start3A_527, %dma_start3A_528, %dma_start3A_529] : memref<2x128x128xf32, #tpu.memory_space<vmem>> -> memref<1x128x128xf32, #tpu.memory_space<vmem>>
    %dma_start3A_531 = tpu.memref_squeeze %dma_start3A_530 : memref<1x128x128xf32, #tpu.memory_space<vmem>> -> memref<128x128xf32, #tpu.memory_space<vmem>>
    %dma_start3A_532 = arith.constant 0 : i32
    %dma_start3A_533 = tpu.memref_slice %arg6[%dma_start3A_526, %dma_start3A_532] : memref<4x128xi32, #tpu.memory_space<vmem>> -> memref<1x128xi32, #tpu.memory_space<vmem>>
    %dma_start3A_534 = tpu.memref_squeeze %dma_start3A_533 : memref<1x128xi32, #tpu.memory_space<vmem>> -> memref<128xi32, #tpu.memory_space<vmem>>
    %dma_start3A_535 = arith.constant 0 : i32
    %dma_start3A_536 = arith.constant 0 : i32
    %dma_start3A_537 = tpu.memref_slice %arg3[%dma_start3A_535, %dma_start3A_536] : memref<4096x128xf32, #tpu.memory_space<hbm>> -> memref<4096x128xf32, #tpu.memory_space<hbm>>
    tpu.enqueue_indirect_dma source(%dma_start3A_537 : memref<4096x128xf32, #tpu.memory_space<hbm>>) target(%dma_start3A_531 : memref<128x128xf32, #tpu.memory_space<vmem>>) offsets(%dma_start3A_534 : memref<128xi32, #tpu.memory_space<vmem>>) semaphore(%arg10 : memref<!tpu.dma_semaphore, #tpu.memory_space<semaphore_mem>>)
    %dma_wait3A_538 = arith.constant 0 : i32
    %dma_wait3A_539 = arith.constant 0 : i32
    %dma_wait3A_540 = arith.constant 0 : i32
    %dma_wait3A_541 = arith.constant 0 : i32
    %dma_wait3A_542 = tpu.memref_slice %arg7[%dma_wait3A_539, %dma_wait3A_540, %dma_wait3A_541] : memref<2x128x128xf32, #tpu.memory_space<vmem>> -> memref<1x128x128xf32, #tpu.memory_space<vmem>>
    %dma_wait3A_543 = tpu.memref_squeeze %dma_wait3A_542 : memref<1x128x128xf32, #tpu.memory_space<vmem>> -> memref<128x128xf32, #tpu.memory_space<vmem>>
    %dma_wait3A_544 = arith.constant 0 : i32
    %dma_wait3A_545 = tpu.memref_slice %arg6[%dma_wait3A_538, %dma_wait3A_544] : memref<4x128xi32, #tpu.memory_space<vmem>> -> memref<1x128xi32, #tpu.memory_space<vmem>>
    %dma_wait3A_546 = tpu.memref_squeeze %dma_wait3A_545 : memref<1x128xi32, #tpu.memory_space<vmem>> -> memref<128xi32, #tpu.memory_space<vmem>>
    %dma_wait3A_547 = arith.constant 0 : i32
    %dma_wait3A_548 = arith.constant 0 : i32
    %dma_wait3A_549 = tpu.memref_slice %arg3[%dma_wait3A_547, %dma_wait3A_548] : memref<4096x128xf32, #tpu.memory_space<hbm>> -> memref<4096x128xf32, #tpu.memory_space<hbm>>
    tpu.wait_indirect_dma semaphore(%arg9 : memref<!tpu.dma_semaphore, #tpu.memory_space<semaphore_mem>>) src(%dma_wait3A_549 : memref<4096x128xf32, #tpu.memory_space<hbm>>) dst(%dma_wait3A_543 : memref<128x128xf32, #tpu.memory_space<vmem>>)
    %add3A_550 = arith.constant 0 : i32
    %add3A_551 = arith.addi %mul3A_2, %add3A_550 : i32
    %dma_start3A_552 = arith.constant 0 : i32
    %dma_start3A_553 = arith.constant 0 : i32
    %dma_start3A_554 = arith.constant 0 : i32
    %dma_start3A_555 = tpu.memref_slice %arg7[%dma_start3A_552, %dma_start3A_553, %dma_start3A_554] : memref<2x128x128xf32, #tpu.memory_space<vmem>> -> memref<1x128x128xf32, #tpu.memory_space<vmem>>
    %dma_start3A_556 = tpu.memref_squeeze %dma_start3A_555 : memref<1x128x128xf32, #tpu.memory_space<vmem>> -> memref<128x128xf32, #tpu.memory_space<vmem>>
    %dma_start3A_557 = arith.constant 0 : i32
    %dma_start3A_558 = tpu.memref_slice %arg4[%add3A_551, %dma_start3A_557] : memref<16384x128xf32, #tpu.memory_space<hbm>> -> memref<128x128xf32, #tpu.memory_space<hbm>>
    %dma_start3A_559 = arith.constant 0 : i32
    %dma_start3A_560 = tpu.memref_slice %arg4[%add3A_551, %dma_start3A_559] : memref<16384x128xf32, #tpu.memory_space<hbm>> -> memref<128x128xf32, #tpu.memory_space<hbm>>
    %dma_start3A_561 = arith.constant 0 : i32
    %dma_start3A_562 = arith.constant 0 : i32
    %dma_start3A_563 = tpu.memref_slice %arg7[%dma_start3A_552, %dma_start3A_561, %dma_start3A_562] : memref<2x128x128xf32, #tpu.memory_space<vmem>> -> memref<1x128x128xf32, #tpu.memory_space<vmem>>
    %dma_start3A_564 = tpu.memref_squeeze %dma_start3A_563 : memref<1x128x128xf32, #tpu.memory_space<vmem>> -> memref<128x128xf32, #tpu.memory_space<vmem>>
    tpu.enqueue_dma source(%dma_start3A_564 : memref<128x128xf32, #tpu.memory_space<vmem>>) target(%dma_start3A_560 : memref<128x128xf32, #tpu.memory_space<hbm>>) target_semaphore(%arg11 : memref<!tpu.dma_semaphore, #tpu.memory_space<semaphore_mem>>)
    %dma_wait3A_565 = arith.constant 0 : i32
    %dma_wait3A_566 = arith.constant 0 : i32
    %dma_wait3A_567 = arith.constant 0 : i32
    %dma_wait3A_568 = tpu.memref_slice %arg7[%dma_wait3A_565, %dma_wait3A_566, %dma_wait3A_567] : memref<2x128x128xf32, #tpu.memory_space<vmem>> -> memref<1x128x128xf32, #tpu.memory_space<vmem>>
    %dma_wait3A_569 = tpu.memref_squeeze %dma_wait3A_568 : memref<1x128x128xf32, #tpu.memory_space<vmem>> -> memref<128x128xf32, #tpu.memory_space<vmem>>
    %dma_wait3A_570 = arith.constant 0 : i32
    %dma_wait3A_571 = tpu.memref_slice %arg4[%add3A_551, %dma_wait3A_570] : memref<16384x128xf32, #tpu.memory_space<hbm>> -> memref<128x128xf32, #tpu.memory_space<hbm>>
    %dma_wait3A_572 = arith.constant 0 : i32
    %dma_wait3A_573 = tpu.memref_slice %arg4[%add3A_551, %dma_wait3A_572] : memref<16384x128xf32, #tpu.memory_space<hbm>> -> memref<128x128xf32, #tpu.memory_space<hbm>>
    %dma_wait3A_574 = arith.constant 0 : i32
    %dma_wait3A_575 = arith.constant 0 : i32
    %dma_wait3A_576 = tpu.memref_slice %arg7[%dma_wait3A_565, %dma_wait3A_574, %dma_wait3A_575] : memref<2x128x128xf32, #tpu.memory_space<vmem>> -> memref<1x128x128xf32, #tpu.memory_space<vmem>>
    %dma_wait3A_577 = tpu.memref_squeeze %dma_wait3A_576 : memref<1x128x128xf32, #tpu.memory_space<vmem>> -> memref<128x128xf32, #tpu.memory_space<vmem>>
    tpu.wait_dma2 semaphore(%arg11 : memref<!tpu.dma_semaphore, #tpu.memory_space<semaphore_mem>>) src(%dma_wait3A_577 : memref<128x128xf32, #tpu.memory_space<vmem>>) dst(%dma_wait3A_573 : memref<128x128xf32, #tpu.memory_space<hbm>>)
    %dma_start3A_578 = arith.constant 2 : i32
    %dma_start3A_579 = arith.constant 0 : i32
    %dma_start3A_580 = arith.constant 0 : i32
    %dma_start3A_581 = arith.constant 0 : i32
    %dma_start3A_582 = tpu.memref_slice %arg7[%dma_start3A_579, %dma_start3A_580, %dma_start3A_581] : memref<2x128x128xf32, #tpu.memory_space<vmem>> -> memref<1x128x128xf32, #tpu.memory_space<vmem>>
    %dma_start3A_583 = tpu.memref_squeeze %dma_start3A_582 : memref<1x128x128xf32, #tpu.memory_space<vmem>> -> memref<128x128xf32, #tpu.memory_space<vmem>>
    %dma_start3A_584 = arith.constant 0 : i32
    %dma_start3A_585 = tpu.memref_slice %arg6[%dma_start3A_578, %dma_start3A_584] : memref<4x128xi32, #tpu.memory_space<vmem>> -> memref<1x128xi32, #tpu.memory_space<vmem>>
    %dma_start3A_586 = tpu.memref_squeeze %dma_start3A_585 : memref<1x128xi32, #tpu.memory_space<vmem>> -> memref<128xi32, #tpu.memory_space<vmem>>
    %dma_start3A_587 = arith.constant 0 : i32
    %dma_start3A_588 = arith.constant 0 : i32
    %dma_start3A_589 = tpu.memref_slice %arg3[%dma_start3A_587, %dma_start3A_588] : memref<4096x128xf32, #tpu.memory_space<hbm>> -> memref<4096x128xf32, #tpu.memory_space<hbm>>
    tpu.enqueue_indirect_dma source(%dma_start3A_589 : memref<4096x128xf32, #tpu.memory_space<hbm>>) target(%dma_start3A_583 : memref<128x128xf32, #tpu.memory_space<vmem>>) offsets(%dma_start3A_586 : memref<128xi32, #tpu.memory_space<vmem>>) semaphore(%arg9 : memref<!tpu.dma_semaphore, #tpu.memory_space<semaphore_mem>>)
    %dma_wait3A_590 = arith.constant 1 : i32
    %dma_wait3A_591 = arith.constant 1 : i32
    %dma_wait3A_592 = arith.constant 0 : i32
    %dma_wait3A_593 = arith.constant 0 : i32
    %dma_wait3A_594 = tpu.memref_slice %arg7[%dma_wait3A_591, %dma_wait3A_592, %dma_wait3A_593] : memref<2x128x128xf32, #tpu.memory_space<vmem>> -> memref<1x128x128xf32, #tpu.memory_space<vmem>>
    %dma_wait3A_595 = tpu.memref_squeeze %dma_wait3A_594 : memref<1x128x128xf32, #tpu.memory_space<vmem>> -> memref<128x128xf32, #tpu.memory_space<vmem>>
    %dma_wait3A_596 = arith.constant 0 : i32
    %dma_wait3A_597 = tpu.memref_slice %arg6[%dma_wait3A_590, %dma_wait3A_596] : memref<4x128xi32, #tpu.memory_space<vmem>> -> memref<1x128xi32, #tpu.memory_space<vmem>>
    %dma_wait3A_598 = tpu.memref_squeeze %dma_wait3A_597 : memref<1x128xi32, #tpu.memory_space<vmem>> -> memref<128xi32, #tpu.memory_space<vmem>>
    %dma_wait3A_599 = arith.constant 0 : i32
    %dma_wait3A_600 = arith.constant 0 : i32
    %dma_wait3A_601 = tpu.memref_slice %arg3[%dma_wait3A_599, %dma_wait3A_600] : memref<4096x128xf32, #tpu.memory_space<hbm>> -> memref<4096x128xf32, #tpu.memory_space<hbm>>
    tpu.wait_indirect_dma semaphore(%arg10 : memref<!tpu.dma_semaphore, #tpu.memory_space<semaphore_mem>>) src(%dma_wait3A_601 : memref<4096x128xf32, #tpu.memory_space<hbm>>) dst(%dma_wait3A_595 : memref<128x128xf32, #tpu.memory_space<vmem>>)
    %add3A_602 = arith.constant 128 : i32
    %add3A_603 = arith.addi %mul3A_2, %add3A_602 : i32
    %dma_start3A_604 = arith.constant 1 : i32
    %dma_start3A_605 = arith.constant 0 : i32
    %dma_start3A_606 = arith.constant 0 : i32
    %dma_start3A_607 = tpu.memref_slice %arg7[%dma_start3A_604, %dma_start3A_605, %dma_start3A_606] : memref<2x128x128xf32, #tpu.memory_space<vmem>> -> memref<1x128x128xf32, #tpu.memory_space<vmem>>
    %dma_start3A_608 = tpu.memref_squeeze %dma_start3A_607 : memref<1x128x128xf32, #tpu.memory_space<vmem>> -> memref<128x128xf32, #tpu.memory_space<vmem>>
    %dma_start3A_609 = arith.constant 0 : i32
    %dma_start3A_610 = tpu.memref_slice %arg4[%add3A_603, %dma_start3A_609] : memref<16384x128xf32, #tpu.memory_space<hbm>> -> memref<128x128xf32, #tpu.memory_space<hbm>>
    %dma_start3A_611 = arith.constant 0 : i32
    %dma_start3A_612 = tpu.memref_slice %arg4[%add3A_603, %dma_start3A_611] : memref<16384x128xf32, #tpu.memory_space<hbm>> -> memref<128x128xf32, #tpu.memory_space<hbm>>
    %dma_start3A_613 = arith.constant 0 : i32
    %dma_start3A_614 = arith.constant 0 : i32
    %dma_start3A_615 = tpu.memref_slice %arg7[%dma_start3A_604, %dma_start3A_613, %dma_start3A_614] : memref<2x128x128xf32, #tpu.memory_space<vmem>> -> memref<1x128x128xf32, #tpu.memory_space<vmem>>
    %dma_start3A_616 = tpu.memref_squeeze %dma_start3A_615 : memref<1x128x128xf32, #tpu.memory_space<vmem>> -> memref<128x128xf32, #tpu.memory_space<vmem>>
    tpu.enqueue_dma source(%dma_start3A_616 : memref<128x128xf32, #tpu.memory_space<vmem>>) target(%dma_start3A_612 : memref<128x128xf32, #tpu.memory_space<hbm>>) target_semaphore(%arg11 : memref<!tpu.dma_semaphore, #tpu.memory_space<semaphore_mem>>)
    %dma_wait3A_617 = arith.constant 1 : i32
    %dma_wait3A_618 = arith.constant 0 : i32
    %dma_wait3A_619 = arith.constant 0 : i32
    %dma_wait3A_620 = tpu.memref_slice %arg7[%dma_wait3A_617, %dma_wait3A_618, %dma_wait3A_619] : memref<2x128x128xf32, #tpu.memory_space<vmem>> -> memref<1x128x128xf32, #tpu.memory_space<vmem>>
    %dma_wait3A_621 = tpu.memref_squeeze %dma_wait3A_620 : memref<1x128x128xf32, #tpu.memory_space<vmem>> -> memref<128x128xf32, #tpu.memory_space<vmem>>
    %dma_wait3A_622 = arith.constant 0 : i32
    %dma_wait3A_623 = tpu.memref_slice %arg4[%add3A_603, %dma_wait3A_622] : memref<16384x128xf32, #tpu.memory_space<hbm>> -> memref<128x128xf32, #tpu.memory_space<hbm>>
    %dma_wait3A_624 = arith.constant 0 : i32
    %dma_wait3A_625 = tpu.memref_slice %arg4[%add3A_603, %dma_wait3A_624] : memref<16384x128xf32, #tpu.memory_space<hbm>> -> memref<128x128xf32, #tpu.memory_space<hbm>>
    %dma_wait3A_626 = arith.constant 0 : i32
    %dma_wait3A_627 = arith.constant 0 : i32
    %dma_wait3A_628 = tpu.memref_slice %arg7[%dma_wait3A_617, %dma_wait3A_626, %dma_wait3A_627] : memref<2x128x128xf32, #tpu.memory_space<vmem>> -> memref<1x128x128xf32, #tpu.memory_space<vmem>>
    %dma_wait3A_629 = tpu.memref_squeeze %dma_wait3A_628 : memref<1x128x128xf32, #tpu.memory_space<vmem>> -> memref<128x128xf32, #tpu.memory_space<vmem>>
    tpu.wait_dma2 semaphore(%arg11 : memref<!tpu.dma_semaphore, #tpu.memory_space<semaphore_mem>>) src(%dma_wait3A_629 : memref<128x128xf32, #tpu.memory_space<vmem>>) dst(%dma_wait3A_625 : memref<128x128xf32, #tpu.memory_space<hbm>>)
    %dma_start3A_630 = arith.constant 3 : i32
    %dma_start3A_631 = arith.constant 1 : i32
    %dma_start3A_632 = arith.constant 0 : i32
    %dma_start3A_633 = arith.constant 0 : i32
    %dma_start3A_634 = tpu.memref_slice %arg7[%dma_start3A_631, %dma_start3A_632, %dma_start3A_633] : memref<2x128x128xf32, #tpu.memory_space<vmem>> -> memref<1x128x128xf32, #tpu.memory_space<vmem>>
    %dma_start3A_635 = tpu.memref_squeeze %dma_start3A_634 : memref<1x128x128xf32, #tpu.memory_space<vmem>> -> memref<128x128xf32, #tpu.memory_space<vmem>>
    %dma_start3A_636 = arith.constant 0 : i32
    %dma_start3A_637 = tpu.memref_slice %arg6[%dma_start3A_630, %dma_start3A_636] : memref<4x128xi32, #tpu.memory_space<vmem>> -> memref<1x128xi32, #tpu.memory_space<vmem>>
    %dma_start3A_638 = tpu.memref_squeeze %dma_start3A_637 : memref<1x128xi32, #tpu.memory_space<vmem>> -> memref<128xi32, #tpu.memory_space<vmem>>
    %dma_start3A_639 = arith.constant 0 : i32
    %dma_start3A_640 = arith.constant 0 : i32
    %dma_start3A_641 = tpu.memref_slice %arg3[%dma_start3A_639, %dma_start3A_640] : memref<4096x128xf32, #tpu.memory_space<hbm>> -> memref<4096x128xf32, #tpu.memory_space<hbm>>
    tpu.enqueue_indirect_dma source(%dma_start3A_641 : memref<4096x128xf32, #tpu.memory_space<hbm>>) target(%dma_start3A_635 : memref<128x128xf32, #tpu.memory_space<vmem>>) offsets(%dma_start3A_638 : memref<128xi32, #tpu.memory_space<vmem>>) semaphore(%arg10 : memref<!tpu.dma_semaphore, #tpu.memory_space<semaphore_mem>>)
    %dma_wait3A_642 = arith.constant 2 : i32
    %dma_wait3A_643 = arith.constant 0 : i32
    %dma_wait3A_644 = arith.constant 0 : i32
    %dma_wait3A_645 = arith.constant 0 : i32
    %dma_wait3A_646 = tpu.memref_slice %arg7[%dma_wait3A_643, %dma_wait3A_644, %dma_wait3A_645] : memref<2x128x128xf32, #tpu.memory_space<vmem>> -> memref<1x128x128xf32, #tpu.memory_space<vmem>>
    %dma_wait3A_647 = tpu.memref_squeeze %dma_wait3A_646 : memref<1x128x128xf32, #tpu.memory_space<vmem>> -> memref<128x128xf32, #tpu.memory_space<vmem>>
    %dma_wait3A_648 = arith.constant 0 : i32
    %dma_wait3A_649 = tpu.memref_slice %arg6[%dma_wait3A_642, %dma_wait3A_648] : memref<4x128xi32, #tpu.memory_space<vmem>> -> memref<1x128xi32, #tpu.memory_space<vmem>>
    %dma_wait3A_650 = tpu.memref_squeeze %dma_wait3A_649 : memref<1x128xi32, #tpu.memory_space<vmem>> -> memref<128xi32, #tpu.memory_space<vmem>>
    %dma_wait3A_651 = arith.constant 0 : i32
    %dma_wait3A_652 = arith.constant 0 : i32
    %dma_wait3A_653 = tpu.memref_slice %arg3[%dma_wait3A_651, %dma_wait3A_652] : memref<4096x128xf32, #tpu.memory_space<hbm>> -> memref<4096x128xf32, #tpu.memory_space<hbm>>
    tpu.wait_indirect_dma semaphore(%arg9 : memref<!tpu.dma_semaphore, #tpu.memory_space<semaphore_mem>>) src(%dma_wait3A_653 : memref<4096x128xf32, #tpu.memory_space<hbm>>) dst(%dma_wait3A_647 : memref<128x128xf32, #tpu.memory_space<vmem>>)
    %add3A_654 = arith.constant 256 : i32
    %add3A_655 = arith.addi %mul3A_2, %add3A_654 : i32
    %dma_start3A_656 = arith.constant 0 : i32
    %dma_start3A_657 = arith.constant 0 : i32
    %dma_start3A_658 = arith.constant 0 : i32
    %dma_start3A_659 = tpu.memref_slice %arg7[%dma_start3A_656, %dma_start3A_657, %dma_start3A_658] : memref<2x128x128xf32, #tpu.memory_space<vmem>> -> memref<1x128x128xf32, #tpu.memory_space<vmem>>
    %dma_start3A_660 = tpu.memref_squeeze %dma_start3A_659 : memref<1x128x128xf32, #tpu.memory_space<vmem>> -> memref<128x128xf32, #tpu.memory_space<vmem>>
    %dma_start3A_661 = arith.constant 0 : i32
    %dma_start3A_662 = tpu.memref_slice %arg4[%add3A_655, %dma_start3A_661] : memref<16384x128xf32, #tpu.memory_space<hbm>> -> memref<128x128xf32, #tpu.memory_space<hbm>>
    %dma_start3A_663 = arith.constant 0 : i32
    %dma_start3A_664 = tpu.memref_slice %arg4[%add3A_655, %dma_start3A_663] : memref<16384x128xf32, #tpu.memory_space<hbm>> -> memref<128x128xf32, #tpu.memory_space<hbm>>
    %dma_start3A_665 = arith.constant 0 : i32
    %dma_start3A_666 = arith.constant 0 : i32
    %dma_start3A_667 = tpu.memref_slice %arg7[%dma_start3A_656, %dma_start3A_665, %dma_start3A_666] : memref<2x128x128xf32, #tpu.memory_space<vmem>> -> memref<1x128x128xf32, #tpu.memory_space<vmem>>
    %dma_start3A_668 = tpu.memref_squeeze %dma_start3A_667 : memref<1x128x128xf32, #tpu.memory_space<vmem>> -> memref<128x128xf32, #tpu.memory_space<vmem>>
    tpu.enqueue_dma source(%dma_start3A_668 : memref<128x128xf32, #tpu.memory_space<vmem>>) target(%dma_start3A_664 : memref<128x128xf32, #tpu.memory_space<hbm>>) target_semaphore(%arg11 : memref<!tpu.dma_semaphore, #tpu.memory_space<semaphore_mem>>)
    %dma_wait3A_669 = arith.constant 3 : i32
    %dma_wait3A_670 = arith.constant 1 : i32
    %dma_wait3A_671 = arith.constant 0 : i32
    %dma_wait3A_672 = arith.constant 0 : i32
    %dma_wait3A_673 = tpu.memref_slice %arg7[%dma_wait3A_670, %dma_wait3A_671, %dma_wait3A_672] : memref<2x128x128xf32, #tpu.memory_space<vmem>> -> memref<1x128x128xf32, #tpu.memory_space<vmem>>
    %dma_wait3A_674 = tpu.memref_squeeze %dma_wait3A_673 : memref<1x128x128xf32, #tpu.memory_space<vmem>> -> memref<128x128xf32, #tpu.memory_space<vmem>>
    %dma_wait3A_675 = arith.constant 0 : i32
    %dma_wait3A_676 = tpu.memref_slice %arg6[%dma_wait3A_669, %dma_wait3A_675] : memref<4x128xi32, #tpu.memory_space<vmem>> -> memref<1x128xi32, #tpu.memory_space<vmem>>
    %dma_wait3A_677 = tpu.memref_squeeze %dma_wait3A_676 : memref<1x128xi32, #tpu.memory_space<vmem>> -> memref<128xi32, #tpu.memory_space<vmem>>
    %dma_wait3A_678 = arith.constant 0 : i32
    %dma_wait3A_679 = arith.constant 0 : i32
    %dma_wait3A_680 = tpu.memref_slice %arg3[%dma_wait3A_678, %dma_wait3A_679] : memref<4096x128xf32, #tpu.memory_space<hbm>> -> memref<4096x128xf32, #tpu.memory_space<hbm>>
    tpu.wait_indirect_dma semaphore(%arg10 : memref<!tpu.dma_semaphore, #tpu.memory_space<semaphore_mem>>) src(%dma_wait3A_680 : memref<4096x128xf32, #tpu.memory_space<hbm>>) dst(%dma_wait3A_674 : memref<128x128xf32, #tpu.memory_space<vmem>>)
    %add3A_681 = arith.constant 384 : i32
    %add3A_682 = arith.addi %mul3A_2, %add3A_681 : i32
    %dma_start3A_683 = arith.constant 1 : i32
    %dma_start3A_684 = arith.constant 0 : i32
    %dma_start3A_685 = arith.constant 0 : i32
    %dma_start3A_686 = tpu.memref_slice %arg7[%dma_start3A_683, %dma_start3A_684, %dma_start3A_685] : memref<2x128x128xf32, #tpu.memory_space<vmem>> -> memref<1x128x128xf32, #tpu.memory_space<vmem>>
    %dma_start3A_687 = tpu.memref_squeeze %dma_start3A_686 : memref<1x128x128xf32, #tpu.memory_space<vmem>> -> memref<128x128xf32, #tpu.memory_space<vmem>>
    %dma_start3A_688 = arith.constant 0 : i32
    %dma_start3A_689 = tpu.memref_slice %arg4[%add3A_682, %dma_start3A_688] : memref<16384x128xf32, #tpu.memory_space<hbm>> -> memref<128x128xf32, #tpu.memory_space<hbm>>
    %dma_start3A_690 = arith.constant 0 : i32
    %dma_start3A_691 = tpu.memref_slice %arg4[%add3A_682, %dma_start3A_690] : memref<16384x128xf32, #tpu.memory_space<hbm>> -> memref<128x128xf32, #tpu.memory_space<hbm>>
    %dma_start3A_692 = arith.constant 0 : i32
    %dma_start3A_693 = arith.constant 0 : i32
    %dma_start3A_694 = tpu.memref_slice %arg7[%dma_start3A_683, %dma_start3A_692, %dma_start3A_693] : memref<2x128x128xf32, #tpu.memory_space<vmem>> -> memref<1x128x128xf32, #tpu.memory_space<vmem>>
    %dma_start3A_695 = tpu.memref_squeeze %dma_start3A_694 : memref<1x128x128xf32, #tpu.memory_space<vmem>> -> memref<128x128xf32, #tpu.memory_space<vmem>>
    tpu.enqueue_dma source(%dma_start3A_695 : memref<128x128xf32, #tpu.memory_space<vmem>>) target(%dma_start3A_691 : memref<128x128xf32, #tpu.memory_space<hbm>>) target_semaphore(%arg11 : memref<!tpu.dma_semaphore, #tpu.memory_space<semaphore_mem>>)
    %dma_wait3A_696 = arith.constant 0 : i32
    %dma_wait3A_697 = arith.constant 0 : i32
    %dma_wait3A_698 = arith.constant 0 : i32
    %dma_wait3A_699 = tpu.memref_slice %arg7[%dma_wait3A_696, %dma_wait3A_697, %dma_wait3A_698] : memref<2x128x128xf32, #tpu.memory_space<vmem>> -> memref<1x128x128xf32, #tpu.memory_space<vmem>>
    %dma_wait3A_700 = tpu.memref_squeeze %dma_wait3A_699 : memref<1x128x128xf32, #tpu.memory_space<vmem>> -> memref<128x128xf32, #tpu.memory_space<vmem>>
    %dma_wait3A_701 = arith.constant 0 : i32
    %dma_wait3A_702 = tpu.memref_slice %arg4[%add3A_655, %dma_wait3A_701] : memref<16384x128xf32, #tpu.memory_space<hbm>> -> memref<128x128xf32, #tpu.memory_space<hbm>>
    %dma_wait3A_703 = arith.constant 0 : i32
    %dma_wait3A_704 = tpu.memref_slice %arg4[%add3A_655, %dma_wait3A_703] : memref<16384x128xf32, #tpu.memory_space<hbm>> -> memref<128x128xf32, #tpu.memory_space<hbm>>
    %dma_wait3A_705 = arith.constant 0 : i32
    %dma_wait3A_706 = arith.constant 0 : i32
    %dma_wait3A_707 = tpu.memref_slice %arg7[%dma_wait3A_696, %dma_wait3A_705, %dma_wait3A_706] : memref<2x128x128xf32, #tpu.memory_space<vmem>> -> memref<1x128x128xf32, #tpu.memory_space<vmem>>
    %dma_wait3A_708 = tpu.memref_squeeze %dma_wait3A_707 : memref<1x128x128xf32, #tpu.memory_space<vmem>> -> memref<128x128xf32, #tpu.memory_space<vmem>>
    tpu.wait_dma2 semaphore(%arg11 : memref<!tpu.dma_semaphore, #tpu.memory_space<semaphore_mem>>) src(%dma_wait3A_708 : memref<128x128xf32, #tpu.memory_space<vmem>>) dst(%dma_wait3A_704 : memref<128x128xf32, #tpu.memory_space<hbm>>)
    %dma_wait3A_709 = arith.constant 1 : i32
    %dma_wait3A_710 = arith.constant 0 : i32
    %dma_wait3A_711 = arith.constant 0 : i32
    %dma_wait3A_712 = tpu.memref_slice %arg7[%dma_wait3A_709, %dma_wait3A_710, %dma_wait3A_711] : memref<2x128x128xf32, #tpu.memory_space<vmem>> -> memref<1x128x128xf32, #tpu.memory_space<vmem>>
    %dma_wait3A_713 = tpu.memref_squeeze %dma_wait3A_712 : memref<1x128x128xf32, #tpu.memory_space<vmem>> -> memref<128x128xf32, #tpu.memory_space<vmem>>
    %dma_wait3A_714 = arith.constant 0 : i32
    %dma_wait3A_715 = tpu.memref_slice %arg4[%add3A_682, %dma_wait3A_714] : memref<16384x128xf32, #tpu.memory_space<hbm>> -> memref<128x128xf32, #tpu.memory_space<hbm>>
    %dma_wait3A_716 = arith.constant 0 : i32
    %dma_wait3A_717 = tpu.memref_slice %arg4[%add3A_682, %dma_wait3A_716] : memref<16384x128xf32, #tpu.memory_space<hbm>> -> memref<128x128xf32, #tpu.memory_space<hbm>>
    %dma_wait3A_718 = arith.constant 0 : i32
    %dma_wait3A_719 = arith.constant 0 : i32
    %dma_wait3A_720 = tpu.memref_slice %arg7[%dma_wait3A_709, %dma_wait3A_718, %dma_wait3A_719] : memref<2x128x128xf32, #tpu.memory_space<vmem>> -> memref<1x128x128xf32, #tpu.memory_space<vmem>>
    %dma_wait3A_721 = tpu.memref_squeeze %dma_wait3A_720 : memref<1x128x128xf32, #tpu.memory_space<vmem>> -> memref<128x128xf32, #tpu.memory_space<vmem>>
    tpu.wait_dma2 semaphore(%arg11 : memref<!tpu.dma_semaphore, #tpu.memory_space<semaphore_mem>>) src(%dma_wait3A_721 : memref<128x128xf32, #tpu.memory_space<vmem>>) dst(%dma_wait3A_717 : memref<128x128xf32, #tpu.memory_space<hbm>>)
    return
  }
}

</mosaic_0001>

<sc_bundles>
// kernel: kernel.3.cloned.1.call-start
scs
__scs_entry_jumppad:
0x0: {  	(pc) =	sbr.rel $0x88, $3  }
0x1: {  	(tag) =	ssettag $0x0;
	lr =	simm.s32 $0x1  }
0x2: {  	[smem:$0x3FA0] =	sst lr;
	_ =	strace $0xD0000000  }
0x3: {  	_ = 	snop  }
0x4: {  	_ = 	snop  }
0x5: {  	_ = 	snop  }
0x6: {  	_ = 	snop  }
0x7: {  	_ = 	snop  }
__scs_overlays_trampoline_lowered:
0x8: {  	[smem:$0x3FAF] =	sst s0  }
0x9: {  	[smem:$0x3FB0] =	sst s1  }
0xa: {  	[smem:$0x3FB1] =	sst s2  }
0xb: {  	[smem:$0x3FB2] =	sst s3  }
0xc: {  	[smem:$0x3FB3] =	sst s4  }
0xd: {  	[smem:$0x3FB4] =	sst s5  }
0xe: {  	[smem:$0x3FB5] =	sst s6  }
0xf: {  	[smem:$0x3FB6] =	sst s7  }
0x10: {  	[smem:$0x3FB7] =	sst s8  }
0x11: {  	[smem:$0x3FB8] =	sst s9;
	s0 =	simm.s32 @!p0 $0x0  }
0x12: {  	s1 =	sld [smem:$0x3F9E];
	s0 =	simm.s32 @p0 $0x1  }
0x13: {  	[smem:$0x3FB9] =	sst s0;
	s0 =	simm.s32 @!p1 $0x0  }
0x14: {  	s2 =	sld [smem:$0x3F9D];
	s0 =	simm.s32 @p1 $0x1  }
0x15: {  	[smem:$0x3FBA] =	sst s0;
	s0 =	simm.s32 @!p2 $0x0  }
0x16: {  	s3 =	sld [smem:$0x3FDB];
	s0 =	simm.s32 @p2 $0x1  }
0x17: {  	s4 =	simm.s32 $0x1BF5;
	[smem:$0x3FBC] =	sst s0  }
0x18: {  	s0 =	sld [smem:$0x3F9F];
	_ =	swait.ge [sflag:s4], $0x0  }
0x19: {  	s7 =	sld [smem:$0x3FA0]  }
0x1a: {  	s8 =	sadd.s32 $0xFFFFE003, lr  }
0x1b: {  	s9 =	sadd.s32 $0xFFFFFEF7, lr;
	s5 =	simm.s32 $0xFFFFFFFF;
	p2 =	slt.u32 s8, $0xFFFFF086  }
0x1c: {  	p1 =	slt.u32 s9, $0xF7A;
	s5 =	simm.s32 @!p2 $0x0  }
0x1d: {  	s5 =	simm.s32 @p1 $0x1;
	p0 =	seq.s32 s7, s2  }
0x1e: {  	s7 =	smul.u32 @!p0 $0xF7A, s2;
	p2 =	seq.s32 @!p0 s5, $0x0  }
0x1f: {  	s9 =	smul.u32 $0xF7A, s1;
	s8 =	simm.s32 @!p0 $0x1BF5;
	p2 =	por !p2, p0  }
0x20: {  	[sflag:s8] =	ssyncset.s32 @!p0 $0xFFFFF086;
	s6 =	sadd.s32 @!p0 s3, s7;
	s7 =	simm.s32 @!p0 $0x108  }
0x21: {  	s3 =	sadd.s32 s3, s9;
	s6 =	sadd.s32 @!p0 $0x88, s6;
	s7 =	simm.s32 @p2 $0x1082  }
0x22: {  	[simem:s7], [sflag:s8] =	dma.local @!p0 [hbm:s6], $0xF7A  }
0x23: {  	s9 =	sor.u32 $0xD0000000, s2;
	s6 =	simm.s32 $0x108;
	_ =	swait.ge @!p0 [sflag:s8], $0x0  }
0x24: {  	s3 =	sadd.s32 $0x88, s3;
	s6 =	simm.s32 @!p1 $0x1082;
	[sflag:s4] =	ssyncset.s32 $0xFFFFF086  }
0x25: {  	[simem:s6], [sflag:s4] =	dma.local [hbm:s3], $0xF7A  }
0x26: {  	[smem:$0x3FA0] =	sst s1;
	(tag) =	ssettag s2;
	_ =	strace s9  }
0x27: {  	s1 =	sld [smem:$0x3FB0]  }
0x28: {  	s2 =	sld [smem:$0x3FB1]  }
0x29: {  	s4 =	sld [smem:$0x3FB3]  }
0x2a: {  	p0 =	seq.s32 s5, $0x0;
	s5 =	sld [smem:$0x3FB4]  }
0x2b: {  	s6 =	sld [smem:$0x3FB5]  }
0x2c: {  	s7 =	sld [smem:$0x3FB6]  }
0x2d: {  	s3 =	simm.s32 $0x108;
	s8 =	sld [smem:$0x3FB7]  }
0x2e: {  	s3 =	simm.s32 @!p0 $0x1082;
	s9 =	sld [smem:$0x3FB8]  }
0x2f: {  	lr =	sadd.s32 s0, s3;
	s0 =	sld [smem:$0x3FAF]  }
0x30: {  	s3 =	sld [smem:$0x3FB2]  }
0x31: {  	[smem:$0x3FBB] =	sst s10  }
0x32: {  	s10 =	sld [smem:$0x3FB9];
	_ =	sdelay $0x3  }
0x33: {  	p0 =	seq.s32 s10, $0x1;
	s10 =	sld [smem:$0x3FBB];
	_ =	sdelay $0x3  }
0x34: {  	[smem:$0x3FBB] =	sst s10  }
0x35: {  	s10 =	sld [smem:$0x3FBA];
	_ =	sdelay $0x3  }
0x36: {  	p1 =	seq.s32 s10, $0x1;
	s10 =	sld [smem:$0x3FBB];
	_ =	sdelay $0x3  }
0x37: {  	[smem:$0x3FBB] =	sst s10  }
0x38: {  	s10 =	sld [smem:$0x3FBC]  }
0x39: {  	_ = 	snop;
	(pc) =	sbr.ind lr, $3  }
0x3a: {  	_ = 	snop  }
0x3b: {  	_ = 	snop  }
0x3c: {  	p2 =	seq.s32 s10, $0x1;
	s10 =	sld [smem:$0x3FBB]  }
0x3d: {  	_ =	shalt  }
0x3e: {  	_ =	shalt  }
0x3f: {  	_ =	shalt  }
0x40: {  	_ =	shalt  }
0x41: {  	_ =	shalt  }
0x42: {  	_ =	shalt  }
0x43: {  	_ =	shalt  }
0x44: {  	_ =	shalt  }
0x45: {  	_ =	shalt  }
0x46: {  	_ =	shalt  }
0x47: {  	_ =	shalt  }
0x48: {  	_ =	shalt  }
0x49: {  	_ =	shalt  }
0x4a: {  	_ =	shalt  }
0x4b: {  	_ =	shalt  }
0x4c: {  	_ =	shalt  }
0x4d: {  	_ =	shalt  }
0x4e: {  	_ =	shalt  }
0x4f: {  	_ =	shalt  }
0x50: {  	_ =	shalt  }
0x51: {  	_ =	shalt  }
0x52: {  	_ =	shalt  }
0x53: {  	_ =	shalt  }
0x54: {  	_ =	shalt  }
0x55: {  	_ =	shalt  }
0x56: {  	_ =	shalt  }
0x57: {  	_ =	shalt  }
0x58: {  	_ =	shalt  }
0x59: {  	_ =	shalt  }
0x5a: {  	_ =	shalt  }
0x5b: {  	_ =	shalt  }
0x5c: {  	_ =	shalt  }
0x5d: {  	_ =	shalt  }
0x5e: {  	_ =	shalt  }
0x5f: {  	_ =	shalt  }
0x60: {  	_ =	shalt  }
0x61: {  	_ =	shalt  }
0x62: {  	_ =	shalt  }
0x63: {  	_ =	shalt  }
0x64: {  	_ =	shalt  }
0x65: {  	_ =	shalt  }
0x66: {  	_ =	shalt  }
0x67: {  	_ =	shalt  }
0x68: {  	_ =	shalt  }
0x69: {  	_ =	shalt  }
0x6a: {  	_ =	shalt  }
0x6b: {  	_ =	shalt  }
0x6c: {  	_ =	shalt  }
0x6d: {  	_ =	shalt  }
0x6e: {  	_ =	shalt  }
0x6f: {  	_ =	shalt  }
0x70: {  	_ =	shalt  }
0x71: {  	_ =	shalt  }
0x72: {  	_ =	shalt  }
0x73: {  	_ =	shalt  }
0x74: {  	_ =	shalt  }
0x75: {  	_ =	shalt  }
0x76: {  	_ =	shalt  }
0x77: {  	_ =	shalt  }
0x78: {  	_ =	shalt  }
0x79: {  	_ =	shalt  }
0x7a: {  	_ =	shalt  }
0x7b: {  	_ =	shalt  }
0x7c: {  	_ =	shalt  }
0x7d: {  	_ =	shalt  }
0x7e: {  	_ =	shalt  }
0x7f: {  	_ =	shalt  }
0x80: {  	_ =	shalt  }
0x81: {  	_ =	shalt  }
0x82: {  	_ =	shalt  }
0x83: {  	_ =	shalt  }
0x84: {  	_ =	shalt  }
0x85: {  	_ =	shalt  }
0x86: {  	_ =	shalt  }
0x87: {  	_ =	shalt  }
.Lfunc_end0:
.L_simem_size_0:
called_computation_lowered:
.L_overlay_start_0:
0x88: {  	s2 =	sld [smem:$0x3FD9]  }
0x89: {  	s3 =	sld [smem:$0x3FFE];
	_ =	sdelay $0x1  }
0x8a: {  	s1 =	srdreg.scid  }
0x8b: {  	s0 =	sand.u32 $0x1, s1  }
0x8c: {  	s17 =	sshll.u32 s0, $0xA;
	s2 =	sadd.s32 s3, s2  }
0x8d: {  	s2 =	sadd.s32 s2, s17  }
0x8e: {  	[smem:$0x3FC7] =	sst s2  }
0x8f: {  	_ = 	snop  }
0x90: {  	s2 =	sld [smem:$0x3FC9]  }
0x91: {  	s18 =	sld [smem:$0x3FD0];
	(tm) =	ssettm $0x1  }
0x92: {  	s4 =	sld [smem:$0x3FFB];
	_ =	sdelay $0x3  }
0x93: {  	_ =	strace s4  }
0x94: {  	s4 =	sld [smem:$0x3FFC];
	_ =	sdelay $0x3  }
0x95: {  	_ =	strace s4  }
0x96: {  	s4 =	sld [smem:$0x3FFD];
	_ =	sdelay $0x3  }
0x97: {  	_ =	strace s4  }
0x98: {  	_ =	strace $0x8FFFFFFF  }
0x99: {  	s19 =	sld [smem:$0x3FDB];
	_ =	sdelay $0x1  }
0x9a: {  	s5 =	simm.s32 $_scs_section_size  }
0x9b: {  	s6 =	simm.s32 $_size__tile_overlayer_lowered;
	s7 =	simm.s32 $_tile_overlayer_lowered  }
0x9c: {  	s22 =	simm.s32 $0x1BFF;
	s21 =	sshll.u32 s7, $0x1;
	s4 =	sadd.s32 s5, s19  }
0x9d: {  	s8 =	simm.s32 $0x0;
	s20 =	sshll.u32 s6, $0x1;
	s6 =	sadd.s32 s21, s4  }
0x9e: {  	[timem:s8], [sflag:s22] =	dma.local [hbm:s6], s20  }
0x9f: {  	_ =	swait.ge [sflag:s22], s20  }
0xa0: {  	s5 =	ssub.s32 $0x0, s20;
	[sflag:s22] =	ssyncset.done $0x0  }
0xa1: {  	[sflag:s22] =	ssyncadd.s32 s5;
	_ =	sdelay $0x1  }
0xa2: {  	s23 =	simm.s32 $0x1B8B  }
0xa3: {  	_ =	swait.ge [sflag:s23], $0x1  }
0xa4: {  	[sflag:s23] =	ssyncset.done $0x0  }
0xa5: {  	s25 =	simm.s32 $0x1B8E;
	s24 =	sld [smem:$0x3FFE];
	[sflag:s23] =	ssyncadd.s32 $0xFFFFFFFF  }
0xa6: {  	s26 =	simm.s32 $execute0_lowered;
	[smem:$0x3FD2] =	sst s25  }
0xa7: {  	s6 =	sshll.u32 s26, $0x1;
	_ =	strace $0x80000046;
	[dreg:$0x1] =	wrdreg $0xFFFFFFFF  }
0xa8: {  	s28 =	simm.s32 $_size_execute0_lowered;
	s4 =	sadd.s32 s4, s6;
	[dreg:$0x0] =	wrdreg $0x0  }
0xa9: {  	s6 =	sshll.u32 s28, $0x1;
	[dreg:$0x2] =	wrdreg s4  }
0xaa: {  	[dreg:$0x3] =	wrdreg s6  }
0xab: {  	[dreg:$0x4] =	wrdreg $0xC0  }
0xac: {  	_ =	task [dreg:s8], $0x5FFFF  }
0xad: {  	[dreg:$0x1] =	wrdreg $0xFFFFFFFF  }
0xae: {  	[dreg:$0x0] =	wrdreg $0x60  }
0xaf: {  	[dreg:$0x2] =	wrdreg s2  }
0xb0: {  	[dreg:$0x3] =	wrdreg s24  }
0xb1: {  	[dreg:$0x4] =	wrdreg s18  }
0xb2: {  	[dreg:$0x5] =	wrdreg $0x9  }
0xb3: {  	_ =	task.clear_ibuf [dreg:s8], $0x6FFFF;
	_ =	strace $0x90000046  }
0xb4: {  	s29 =	simm.s32 $0x9;
	_ =	strace $0x80000048  }
0xb5: {  	_ =	swait.ge [sflag:s29], $0x1  }
0xb6: {  	[sflag:s29] =	ssyncadd.s32 $0xFFFFFFFF  }
0xb7: {  	_ =	strace $0x90000048  }
0xb8: {  	_ =	sfence  }
0xb9: {  	s30 =	sld [smem:$0x0];
	_ =	sdelay $0x2  }
0xba: {  	s31 =	sshll.u32 s1, $0xD;
	s1 =	sshrl.u32 s1, $0x2  }
0xbb: {  	s3 =	sand.u32 $0x4000, s31;
	s1 =	sadd.s32 s1, s30  }
0xbc: {  	s0 =	sor.u32 s3, s0;
	s1 =	sshll.u32 s1, $0x11  }
0xbd: {  	s0 =	sor.u32 s1, s0  }
0xbe: {  	s0 =	sadd.s32 $0x8F2B, s0  }
0xbf: {  	[sflag:s0] =	ssyncadd.remote.s32 $0x1  }
0xc0: {  	_ =	sfence.sel $0xFFFF  }
0xc1: {  	[dreg:$0x0] =	wrdreg $0xFFFFFFFF;
	(pc) =	sbr.abs _section_cstart, $3  }
0xc2: {  	[dreg:$0x1] =	wrdreg $0xFFFFFFFF  }
0xc3: {  	_ =	task.clear_ibuf [dreg:s8], $0x2FFFF;
	_ =	strace $0x9FFFFFFF  }
0xc4: {  	(tm) =	ssettm $0x7FFFFFFF  }
0xc5: {  	_ =	shalt  }
tec
execute0_lowered:
.L_overlay_start_1:
0x0: {  	(tag) =	ssettag $0x1  }
0x1: {  	s3 =	rddreg [dreg:$0x0]  }
0x2: {  	s5 =	rddreg [dreg:$0x1]  }
0x3: {  	s1 =	srdreg.scid;
	s0 =	stileid.u32  }
0x4: {  	s6 =	rddreg [dreg:$0x2];
	s7 =	sand.u32 $0x1, s1;
	s4 =	sshll.u32 s0, $0x1  }
0x5: {  	s2 =	simm.s32 $0x0;
	s1 =	rddreg [dreg:$0x3];
	s8 =	sor.u32 s7, s4  }
0x6: {  	[smem:$0x7FF] =	sst s2;
	s4 =	sshll.u32 s8, $0x6  }
0x7: {  	_ =	strace $0x80000047;
	s3 =	sadd.s32 s3, s4;
	s4 =	simm.s32 $0x1  }
0x8: {  	[tilespmem:s2], [sflag:$0x1] =	stream.linear.gather [hbm4b:s3+s2], $0x200, $0x38;
	[tilespmem:$0x8400] =	vst v63  }
0x9: {  	_ =	swait.ge [sflag:s4], $0x200  }
0xa: {  	[sflag:s4] =	ssyncset.done $0x0  }
0xb: {  	[sflag:s4] =	ssyncadd.s32 $0xFFFFFE00  }
0xc: {  	v1 =	vld [tilespmem:$0x1F0]  }
0xd: {  	v2 =	vld [tilespmem:$0xB0]  }
0xe: {  	v3 =	vld [tilespmem:$0x1E0]  }
0xf: {  	v5 =	vld [tilespmem:$0x1C0]  }
0x10: {  	s9 =	sshll.u32 s8, $0x7;
	v6 =	vld [tilespmem:$0x1A0]  }
0x11: {  	v0 =	vmov s9;
	v7 =	vld [tilespmem:$0x190];
	v1 =	vand.u32 $0x7F, v1  }
0x12: {  	v4 =	vld [tilespmem:$0x1D0];
	v2 =	vand.u32 $0x7F, v2;
	v1 =	vor.u32 v0, v1  }
0x13: {  	v8 =	vld [tilespmem:$0x180];
	v3 =	vand.u32 $0x7F, v3;
	v2 =	vor.u32 v0, v2;
	[tilespmem:$0x3F0] =	vst v1  }
0x14: {  	v48 =	vld [tilespmem:$0x160];
	v5 =	vand.u32 $0x7F, v5;
	v3 =	vor.u32 v0, v3;
	[tilespmem:$0x2B0] =	vst v2  }
0x15: {  	v49 =	vld [tilespmem:$0x130];
	v6 =	vand.u32 $0x7F, v6;
	v5 =	vor.u32 v0, v5;
	[tilespmem:$0x3E0] =	vst v3  }
0x16: {  	v50 =	vld [tilespmem:$0x120];
	v7 =	vand.u32 $0x7F, v7;
	v6 =	vor.u32 v0, v6;
	[tilespmem:$0x3C0] =	vst v5  }
0x17: {  	v7 =	vor.u32 v0, v7;
	v1 =	vld [tilespmem:$0x170];
	v2 =	vand.u32 $0x7F, v4;
	[tilespmem:$0x3A0] =	vst v6  }
0x18: {  	v8 =	vand.u32 $0x7F, v8;
	v3 =	vld [tilespmem:$0x150];
	[tilespmem:$0x390] =	vst v7;
	v2 =	vor.u32 v0, v2  }
0x19: {  	v8 =	vor.u32 v0, v8;
	v4 =	vand.u32 $0x7F, v48;
	[tilespmem:$0x3D0] =	vst v2;
	v2 =	vld [tilespmem:$0x140]  }
0x1a: {  	v51 =	vld [tilespmem:$0x110];
	[tilespmem:$0x380] =	vst v8;
	v5 =	vand.u32 $0x7F, v49;
	v4 =	vor.u32 v0, v4  }
0x1b: {  	v56 =	vld [tilespmem:$0xA0];
	v6 =	vand.u32 $0x7F, v50;
	v5 =	vor.u32 v0, v5;
	[tilespmem:$0x360] =	vst v4  }
0x1c: {  	v52 =	vld [tilespmem:$0x100];
	v6 =	vor.u32 v0, v6;
	[tilespmem:$0x330] =	vst v5;
	v1 =	vand.u32 $0x7F, v1  }
0x1d: {  	v53 =	vld [tilespmem:$0xE0];
	[tilespmem:$0x320] =	vst v6;
	v3 =	vand.u32 $0x7F, v3;
	v1 =	vor.u32 v0, v1  }
0x1e: {  	v3 =	vor.u32 v0, v3;
	[tilespmem:$0x370] =	vst v1;
	v1 =	vld [tilespmem:$0xF0];
	v2 =	vand.u32 $0x7F, v2  }
0x1f: {  	v7 =	vand.u32 $0x7F, v51;
	[tilespmem:$0x350] =	vst v3;
	v3 =	vld [tilespmem:$0xD0];
	v2 =	vor.u32 v0, v2  }
0x20: {  	v8 =	vand.u32 $0x7F, v56;
	v7 =	vor.u32 v0, v7;
	[tilespmem:$0x340] =	vst v2;
	v2 =	vld [tilespmem:$0xC0]  }
0x21: {  	v55 =	vld [tilespmem:$0x1B0];
	v54 =	vand.u32 $0x7F, v52;
	v8 =	vor.u32 v0, v8;
	[tilespmem:$0x310] =	vst v7  }
0x22: {  	v57 =	vld [tilespmem:$0x90];
	v5 =	vor.u32 v0, v54;
	v4 =	vand.u32 $0x7F, v53;
	[tilespmem:$0x2A0] =	vst v8  }
0x23: {  	v58 =	vld [tilespmem:$0x80];
	[tilespmem:$0x300] =	vst v5;
	v4 =	vor.u32 v0, v4;
	v1 =	vand.u32 $0x7F, v1  }
0x24: {  	v59 =	vld [tilespmem:$0x60];
	[tilespmem:$0x2E0] =	vst v4;
	v3 =	vand.u32 $0x7F, v3;
	v1 =	vor.u32 v0, v1  }
0x25: {  	v3 =	vor.u32 v0, v3;
	[tilespmem:$0x2F0] =	vst v1;
	v1 =	vld [tilespmem:$0x70];
	v2 =	vand.u32 $0x7F, v2  }
0x26: {  	v60 =	vld [tilespmem:$0x50];
	[tilespmem:$0x2D0] =	vst v3;
	v3 =	vand.u32 $0x7F, v55;
	v2 =	vor.u32 v0, v2  }
0x27: {  	v7 =	vand.u32 $0x7F, v57;
	[tilespmem:$0x2C0] =	vst v2;
	v2 =	vor.u32 v0, v3;
	v3 =	vld [tilespmem:$0x40]  }
0x28: {  	v5 =	vand.u32 $0x7F, v58;
	v7 =	vor.u32 v0, v7;
	[tilespmem:$0x3B0] =	vst v2;
	v2 =	vld [tilespmem:$0x30]  }
0x29: {  	v61 =	vld [tilespmem:$0x20];
	v5 =	vor.u32 v0, v5;
	[tilespmem:$0x290] =	vst v7;
	v4 =	vand.u32 $0x7F, v59  }
0x2a: {  	s7 =	ssub.s32 $0x2, s7;
	v62 =	vld [tilespmem:$0x10];
	[tilespmem:$0x280] =	vst v5;
	v4 =	vor.u32 v0, v4;
	v1 =	vand.u32 $0x7F, v1  }
0x2b: {  	s10 =	sshrl.u32 s7, $0x1;
	v63 =	vld [tilespmem:$0x0];
	v6 =	vand.u32 $0x7F, v60;
	[tilespmem:$0x260] =	vst v4;
	v1 =	vor.u32 v0, v1  }
0x2c: {  	s13 =	simm.s32 $0x80;
	s17 =	simm.s32 $0x200;
	s10 =	ssub.s32 s7, s10;
	[tilespmem:$0x270] =	vst v1;
	v1 =	vand.u32 $0x7F, v3;
	v3 =	vor.u32 v0, v6  }
0x2d: {  	s11 =	simm.s32 $0x400;
	s19 =	simm.s32 $0x280;
	s20 =	smax.u32 s10, $0x1;
	v2 =	vand.u32 $0x7F, v2;
	v1 =	vor.u32 v0, v1;
	[tilespmem:$0x250] =	vst v3  }
0x2e: {  	s12 =	simm.s32 $0x4400;
	s14 =	simm.s32 $0x2;
	p0 =	sne.s32 s20, $0x1;
	v3 =	vand.u32 $0x7F, v61;
	v2 =	vor.u32 v0, v2;
	[tilespmem:$0x240] =	vst v1  }
.Ltmp0:
0x2f: {  	s18 =	simm.s32 $0x300;
	s8 =	sshll.u32 s8, $0xD;
	v1 =	vand.u32 $0x7F, v62;
	v3 =	vor.u32 v0, v3;
	[tilespmem:$0x230] =	vst v2;
	(pc) =	sbr.rel @!p0 .LBB2_2-.Ltmp0, $4  }
0x30: {  	s15 =	simm.s32 $0x3;
	s16 =	simm.s32 $0x380;
	s9 =	sadd.s32 s6, s8;
	v2 =	vand.u32 $0x7F, v63;
	v1 =	vor.u32 v0, v1;
	[tilespmem:$0x220] =	vst v3  }
0x31: {  	s6 =	sadd.s32 $0x400, s5;
	s8 =	sadd.s32 $0x800, s9;
	s7 =	sadd.s32 $0x1000, s9;
	v2 =	vor.u32 v0, v2;
	[tilespmem:$0x210] =	vst v1  }
0x32: {  	s5 =	sadd.s32 $0x1800, s9;
	s10 =	simm.s32 $0x4;
	s20 =	sadd.s32 $0xFFFFFFFF, s20;
	[tilespmem:$0x200] =	vst v2  }
0x33: {  	[tilespmem:s11], [sflag:$0x2] =	stream.indirect.gather [hbm4b:s6+s13], $0x80, s17, s13, $0xb8;
	[tilespmem:$0x8400] =	vst v63  }
.LBB2_1:
0x34: {  	p0 =	sne.s32 s20, $0x1;
	s20 =	sadd.s32 $0xFFFFFFFF, s20  }
0x35: {  	[tilespmem:s12], [sflag:$0x3] =	stream.indirect.gather [hbm4b:s6+s13], $0x80, s19, s13, $0xb8;
	[tilespmem:$0x8400] =	vst v63  }
0x36: {  	_ =	swait.ge [sflag:s14], $0x4000  }
0x37: {  	[sflag:s14] =	ssyncset.done $0x0  }
0x38: {  	[sflag:s14] =	ssyncadd.s32 $0xFFFFC000  }
0x39: {  	[hbm4b:s9+s2] =	stream.linear.scatter [tilespmem:s11], [sflag:$0x4], $0x4000, $0x38;
	[tilespmem:$0x8400] =	vst v63  }
0x3a: {  	_ =	swait.ge [sflag:s10], $0x4000  }
0x3b: {  	[sflag:s10] =	ssyncset.done $0x0  }
0x3c: {  	[sflag:s10] =	ssyncadd.s32 $0xFFFFC000  }
0x3d: {  	[tilespmem:s11], [sflag:$0x2] =	stream.indirect.gather [hbm4b:s6+s13], $0x80, s18, s13, $0xb8;
	[tilespmem:$0x8400] =	vst v63  }
0x3e: {  	_ =	swait.ge [sflag:s15], $0x4000  }
0x3f: {  	[sflag:s15] =	ssyncset.done $0x0  }
0x40: {  	[sflag:s15] =	ssyncadd.s32 $0xFFFFC000  }
0x41: {  	[hbm4b:s8+s2] =	stream.linear.scatter [tilespmem:s12], [sflag:$0x4], $0x4000, $0x38;
	[tilespmem:$0x8400] =	vst v63  }
0x42: {  	_ =	swait.ge [sflag:s10], $0x4000  }
0x43: {  	[sflag:s10] =	ssyncset.done $0x0  }
0x44: {  	[sflag:s10] =	ssyncadd.s32 $0xFFFFC000  }
0x45: {  	[tilespmem:s12], [sflag:$0x3] =	stream.indirect.gather [hbm4b:s6+s13], $0x80, s16, s13, $0xb8;
	[tilespmem:$0x8400] =	vst v63  }
0x46: {  	_ =	swait.ge [sflag:s14], $0x4000  }
0x47: {  	[sflag:s14] =	ssyncset.done $0x0  }
0x48: {  	[sflag:s14] =	ssyncadd.s32 $0xFFFFC000  }
0x49: {  	[hbm4b:s7+s2] =	stream.linear.scatter [tilespmem:s11], [sflag:$0x4], $0x4000, $0x38;
	[tilespmem:$0x8400] =	vst v63  }
0x4a: {  	_ =	swait.ge [sflag:s15], $0x4000  }
0x4b: {  	[sflag:s15] =	ssyncset.done $0x0  }
0x4c: {  	[sflag:s15] =	ssyncadd.s32 $0xFFFFC000  }
0x4d: {  	[hbm4b:s5+s2] =	stream.linear.scatter [tilespmem:s12], [sflag:$0x4], $0x4000, $0x38;
	[tilespmem:$0x8400] =	vst v63  }
0x4e: {  	_ =	swait.ge [sflag:s10], $0x4000  }
0x4f: {  	[sflag:s10] =	ssyncset.done $0x0  }
0x50: {  	[sflag:s10] =	ssyncadd.s32 $0xFFFFC000  }
0x51: {  	_ =	swait.ge [sflag:s10], $0x4000  }
0x52: {  	[sflag:s10] =	ssyncset.done $0x0  }
0x53: {  	[sflag:s10] =	ssyncadd.s32 $0xFFFFC000  }
0x54: {  	[tilespmem:s2], [sflag:$0x1] =	stream.linear.gather [hbm4b:s3+s2], $0x200, $0x38;
	[tilespmem:$0x8400] =	vst v63  }
0x55: {  	_ =	swait.ge [sflag:s4], $0x200  }
0x56: {  	[sflag:s4] =	ssyncset.done $0x0  }
0x57: {  	[sflag:s4] =	ssyncadd.s32 $0xFFFFFE00  }
0x58: {  	v1 =	vld [tilespmem:$0x1F0]  }
0x59: {  	v2 =	vld [tilespmem:$0xB0]  }
0x5a: {  	v3 =	vld [tilespmem:$0x1E0]  }
0x5b: {  	v4 =	vld [tilespmem:$0x1D0]  }
0x5c: {  	v5 =	vld [tilespmem:$0x1C0]  }
0x5d: {  	v6 =	vld [tilespmem:$0x1A0];
	v1 =	vand.u32 $0x7F, v1  }
0x5e: {  	v2 =	vand.u32 $0x7F, v2;
	v7 =	vld [tilespmem:$0x190];
	v1 =	vor.u32 v0, v1  }
0x5f: {  	v2 =	vor.u32 v0, v2;
	v8 =	vld [tilespmem:$0x180];
	v3 =	vand.u32 $0x7F, v3;
	[tilespmem:$0x3F0] =	vst v1  }
0x60: {  	[tilespmem:$0x2B0] =	vst v2;
	v1 =	vld [tilespmem:$0x170];
	v2 =	vand.u32 $0x7F, v4;
	v3 =	vor.u32 v0, v3  }
0x61: {  	v4 =	vld [tilespmem:$0x160];
	v5 =	vand.u32 $0x7F, v5;
	v2 =	vor.u32 v0, v2;
	[tilespmem:$0x3E0] =	vst v3  }
0x62: {  	v3 =	vld [tilespmem:$0x150];
	v6 =	vand.u32 $0x7F, v6;
	v5 =	vor.u32 v0, v5;
	[tilespmem:$0x3D0] =	vst v2  }
0x63: {  	v2 =	vld [tilespmem:$0x140];
	v7 =	vand.u32 $0x7F, v7;
	v6 =	vor.u32 v0, v6;
	[tilespmem:$0x3C0] =	vst v5  }
0x64: {  	v5 =	vld [tilespmem:$0x130];
	v8 =	vand.u32 $0x7F, v8;
	v7 =	vor.u32 v0, v7;
	[tilespmem:$0x3A0] =	vst v6  }
0x65: {  	v6 =	vld [tilespmem:$0x120];
	v1 =	vand.u32 $0x7F, v1;
	v8 =	vor.u32 v0, v8;
	[tilespmem:$0x390] =	vst v7  }
0x66: {  	v7 =	vld [tilespmem:$0x110];
	v4 =	vand.u32 $0x7F, v4;
	v1 =	vor.u32 v0, v1;
	[tilespmem:$0x380] =	vst v8  }
0x67: {  	v8 =	vld [tilespmem:$0x100];
	v3 =	vand.u32 $0x7F, v3;
	v4 =	vor.u32 v0, v4;
	[tilespmem:$0x370] =	vst v1  }
0x68: {  	v1 =	vld [tilespmem:$0xF0];
	v2 =	vand.u32 $0x7F, v2;
	v3 =	vor.u32 v0, v3;
	[tilespmem:$0x360] =	vst v4  }
0x69: {  	v4 =	vld [tilespmem:$0xE0];
	v5 =	vand.u32 $0x7F, v5;
	v2 =	vor.u32 v0, v2;
	[tilespmem:$0x350] =	vst v3  }
0x6a: {  	v3 =	vld [tilespmem:$0xD0];
	v6 =	vand.u32 $0x7F, v6;
	v5 =	vor.u32 v0, v5;
	[tilespmem:$0x340] =	vst v2  }
0x6b: {  	v2 =	vld [tilespmem:$0xC0];
	v7 =	vand.u32 $0x7F, v7;
	v6 =	vor.u32 v0, v6;
	[tilespmem:$0x330] =	vst v5  }
0x6c: {  	v5 =	vand.u32 $0x7F, v8;
	v7 =	vor.u32 v0, v7;
	[tilespmem:$0x320] =	vst v6;
	v6 =	vld [tilespmem:$0x1B0]  }
0x6d: {  	v8 =	vld [tilespmem:$0xA0];
	v1 =	vand.u32 $0x7F, v1;
	v5 =	vor.u32 v0, v5;
	[tilespmem:$0x310] =	vst v7  }
0x6e: {  	v7 =	vld [tilespmem:$0x90];
	v4 =	vand.u32 $0x7F, v4;
	v1 =	vor.u32 v0, v1;
	[tilespmem:$0x300] =	vst v5  }
0x6f: {  	v5 =	vld [tilespmem:$0x80];
	v3 =	vand.u32 $0x7F, v3;
	v4 =	vor.u32 v0, v4;
	[tilespmem:$0x2F0] =	vst v1  }
0x70: {  	v1 =	vld [tilespmem:$0x70];
	v2 =	vand.u32 $0x7F, v2;
	v3 =	vor.u32 v0, v3;
	[tilespmem:$0x2E0] =	vst v4  }
0x71: {  	v4 =	vld [tilespmem:$0x60];
	v2 =	vor.u32 v0, v2;
	[tilespmem:$0x2D0] =	vst v3;
	v3 =	vand.u32 $0x7F, v6  }
0x72: {  	v6 =	vld [tilespmem:$0x50];
	v8 =	vand.u32 $0x7F, v8;
	[tilespmem:$0x2C0] =	vst v2;
	v2 =	vor.u32 v0, v3  }
0x73: {  	v3 =	vld [tilespmem:$0x40];
	v7 =	vand.u32 $0x7F, v7;
	v8 =	vor.u32 v0, v8;
	[tilespmem:$0x3B0] =	vst v2  }
0x74: {  	v2 =	vld [tilespmem:$0x30];
	v5 =	vand.u32 $0x7F, v5;
	v7 =	vor.u32 v0, v7;
	[tilespmem:$0x2A0] =	vst v8  }
0x75: {  	v8 =	vld [tilespmem:$0x20];
	v1 =	vand.u32 $0x7F, v1;
	v5 =	vor.u32 v0, v5;
	[tilespmem:$0x290] =	vst v7  }
0x76: {  	v7 =	vld [tilespmem:$0x10];
	v4 =	vand.u32 $0x7F, v4;
	v1 =	vor.u32 v0, v1;
	[tilespmem:$0x280] =	vst v5  }
0x77: {  	v5 =	vld [tilespmem:$0x0];
	v6 =	vand.u32 $0x7F, v6;
	v4 =	vor.u32 v0, v4;
	[tilespmem:$0x270] =	vst v1  }
0x78: {  	v1 =	vand.u32 $0x7F, v3;
	v3 =	vor.u32 v0, v6;
	[tilespmem:$0x260] =	vst v4  }
0x79: {  	v2 =	vand.u32 $0x7F, v2;
	v1 =	vor.u32 v0, v1;
	[tilespmem:$0x250] =	vst v3  }
0x7a: {  	v3 =	vand.u32 $0x7F, v8;
	v2 =	vor.u32 v0, v2;
	[tilespmem:$0x240] =	vst v1  }
.Ltmp1:
0x7b: {  	v1 =	vand.u32 $0x7F, v7;
	v3 =	vor.u32 v0, v3;
	[tilespmem:$0x230] =	vst v2;
	(pc) =	sbr.rel @p0 .LBB2_1-.Ltmp1, $4  }
0x7c: {  	v2 =	vand.u32 $0x7F, v5;
	v1 =	vor.u32 v0, v1;
	[tilespmem:$0x220] =	vst v3  }
0x7d: {  	v2 =	vor.u32 v0, v2;
	[tilespmem:$0x210] =	vst v1  }
0x7e: {  	[tilespmem:$0x200] =	vst v2  }
0x7f: {  	[tilespmem:s11], [sflag:$0x2] =	stream.indirect.gather [hbm4b:s6+s13], $0x80, s17, s13, $0xb8;
	[tilespmem:$0x8400] =	vst v63  }
.LBB2_2:
0x80: {  	[tilespmem:s12], [sflag:$0x3] =	stream.indirect.gather [hbm4b:s6+s13], $0x80, s19, s13, $0xb8;
	[tilespmem:$0x8400] =	vst v63  }
0x81: {  	_ =	swait.ge [sflag:s14], $0x4000  }
0x82: {  	[sflag:s14] =	ssyncset.done $0x0  }
0x83: {  	[sflag:s14] =	ssyncadd.s32 $0xFFFFC000  }
0x84: {  	[hbm4b:s9+s2] =	stream.linear.scatter [tilespmem:s11], [sflag:$0x4], $0x4000, $0x38;
	[tilespmem:$0x8400] =	vst v63  }
0x85: {  	_ =	swait.ge [sflag:s10], $0x4000  }
0x86: {  	[sflag:s10] =	ssyncset.done $0x0  }
0x87: {  	[sflag:s10] =	ssyncadd.s32 $0xFFFFC000  }
0x88: {  	[tilespmem:s11], [sflag:$0x2] =	stream.indirect.gather [hbm4b:s6+s13], $0x80, s18, s13, $0xb8;
	[tilespmem:$0x8400] =	vst v63  }
0x89: {  	_ =	swait.ge [sflag:s15], $0x4000  }
0x8a: {  	[sflag:s15] =	ssyncset.done $0x0  }
0x8b: {  	[sflag:s15] =	ssyncadd.s32 $0xFFFFC000  }
0x8c: {  	[hbm4b:s8+s2] =	stream.linear.scatter [tilespmem:s12], [sflag:$0x4], $0x4000, $0x38;
	[tilespmem:$0x8400] =	vst v63  }
0x8d: {  	_ =	swait.ge [sflag:s10], $0x4000  }
0x8e: {  	[sflag:s10] =	ssyncset.done $0x0  }
0x8f: {  	[sflag:s10] =	ssyncadd.s32 $0xFFFFC000  }
0x90: {  	[tilespmem:s12], [sflag:$0x3] =	stream.indirect.gather [hbm4b:s6+s13], $0x80, s16, s13, $0xb8;
	[tilespmem:$0x8400] =	vst v63  }
0x91: {  	_ =	swait.ge [sflag:s14], $0x4000  }
0x92: {  	[sflag:s14] =	ssyncset.done $0x0  }
0x93: {  	[sflag:s14] =	ssyncadd.s32 $0xFFFFC000  }
0x94: {  	[hbm4b:s7+s2] =	stream.linear.scatter [tilespmem:s11], [sflag:$0x4], $0x4000, $0x38;
	[tilespmem:$0x8400] =	vst v63  }
0x95: {  	_ =	swait.ge [sflag:s15], $0x4000  }
0x96: {  	[sflag:s15] =	ssyncset.done $0x0  }
0x97: {  	[sflag:s15] =	ssyncadd.s32 $0xFFFFC000  }
0x98: {  	[hbm4b:s5+s2] =	stream.linear.scatter [tilespmem:s12], [sflag:$0x4], $0x4000, $0x38;
	[tilespmem:$0x8400] =	vst v63  }
0x99: {  	_ =	swait.ge [sflag:s10], $0x4000  }
0x9a: {  	[sflag:s10] =	ssyncset.done $0x0  }
0x9b: {  	[sflag:s10] =	ssyncadd.s32 $0xFFFFC000  }
0x9c: {  	_ =	swait.ge [sflag:s10], $0x4000  }
0x9d: {  	[sflag:s10] =	ssyncset.done $0x0  }
0x9e: {  	[sflag:s10] =	ssyncadd.s32 $0xFFFFC000  }
0x9f: {  	_ =	sfence.sel $0x180000  }
0xa0: {  	[bflag:$0x0] =	sbarrier.arrive $0xFFFF  }
0xa1: {  	p0 =	sne.s32 s0, $0x0;
	_ =	strace $0x90000047  }
0xa2: {  	s0 =	sadd.s32 @!p0 $0x100000, s1;
	[bflag:$0x2] =	sbarrier.arrive $0xFFFF  }
0xa3: {  	[sflag:s0] =	ssyncadd.tile.s32 @!p0 $0x1;
	_ =	shalt  }
.Lfunc_end2:
_tile_overlayer_lowered:
.L_overlay_start_2:
0xa4: {  	(tag) =	ssettag $0x2  }
0xa5: {  	s0 =	rddreg [dreg:$0x0];
	s2 =	stileid.u32  }
0xa6: {  	s1 =	rddreg [dreg:$0x1];
	p0 =	sne.s32 s2, $0x0  }
0xa7: {  	s3 =	rddreg [dreg:$0x2];
	[bflag:$0x3] =	sbarrier.arrive $0xFFFF;
	s2 =	simm.s32 @!p0 $0x1C05  }
0xa8: {  	[timem:s3], [sflag:s2] =	dma.local @!p0 [hbm:s0], s1  }
0xa9: {  	s0 =	simm.s32 @!p0 $0x5  }
0xaa: {  	_ =	swait.ge @!p0 [sflag:s0], s1  }
0xab: {  	s1 =	ssub.s32 @!p0 $0x0, s1;
	[sflag:s0] =	ssyncset.done @!p0 $0x0  }
0xac: {  	[sflag:s0] =	ssyncadd.s32 @!p0 s1  }
0xad: {  	[bflag:$0x3] =	sbarrier.arrive $0xFFFF  }
0xae: {  	_ =	shalt  }

</sc_bundles>
